<compile_context>
chip_gen: v7x
topology: tpu7x:2x2x1
jax: 0.10.2.dev20260603
libtpu: 0.0.44.dev20260713+nightly
codegen_flags: <defaults>
</compile_context>

<pallas_src>
import functools

import jax
import jax.numpy as jnp
from jax import lax
from jax.experimental import pallas as pl
from jax.experimental.pallas import tpu as pltpu
from jax.experimental.pallas import tpu_sc as plsc

VOCAB = 100000
NUM_SEG = 2
MAX_LEN = 200
EMBED = 128
BATCH = 1024

NC, NS = 2, 16
NW = NC * NS
N = BATCH * MAX_LEN
CHUNK = 128
ROWS_PER_W = N // NW
CHUNKS_PER_W = ROWS_PER_W // CHUNK
LANES = 16
NBUF = 4
LOOKAHEAD = NBUF - 2
PIECE = 40


def _sc_embed(seq3d, seg3d, token_table, segmt_table, pos_table):
    mesh = plsc.VectorSubcoreMesh(
        core_axis_name="c", subcore_axis_name="s",
        num_cores=NC, num_subcores=NS,
    )

    @functools.partial(
        pl.kernel,
        out_type=jax.ShapeDtypeStruct((N, EMBED), jnp.float32),
        mesh=mesh,
        scratch_types=(
            [pltpu.VMEM((CHUNKS_PER_W, CHUNK), jnp.int32)] * 2
            + [pltpu.VMEM((CHUNK, EMBED), jnp.float32)] * NBUF
            + [pltpu.VMEM((NUM_SEG, EMBED), jnp.float32)]
            + [pltpu.VMEM_SHARED((NUM_SEG * MAX_LEN, EMBED), jnp.float32)]
            + [pltpu.SemaphoreType.DMA] * (3 * NBUF)
        ),
    )
    def k(seq_hbm, seg_hbm, tok_hbm, st_hbm, pos_hbm, out_hbm,
          idx_tok, idx_cmb, *rest):
        rows = rest[:NBUF]
        segv = rest[NBUF]
        comb_sp = rest[NBUF + 1]
        sg = rest[NBUF + 2:NBUF + 2 + NBUF]
        sa = rest[NBUF + 2 + NBUF:NBUF + 2 + 2 * NBUF]
        so = rest[NBUF + 2 + 2 * NBUF:]

        sid = lax.axis_index("s")
        wid = sid * NC + lax.axis_index("c")
        obase = pl.multiple_of(wid * ROWS_PER_W, CHUNK)

        pltpu.sync_copy(seq_hbm.at[wid], idx_tok)

        def out_at(j):
            return out_hbm.at[pl.ds(pl.multiple_of(obase + j * CHUNK, CHUNK),
                                    CHUNK)]

        def issue_tok(j, b):
            pltpu.async_copy(tok_hbm.at[idx_tok.at[j]], rows[b], sg[b])

        def wait_tok(j, b):
            pltpu.make_async_copy(tok_hbm.at[idx_tok.at[j]], rows[b],
                                  sg[b]).wait()

        def issue_add(j, b):
            pltpu.async_copy(comb_sp.at[idx_cmb.at[j]], rows[b], sa[b],
                             add=True)

        def wait_add(j, b):
            pltpu.make_async_copy(comb_sp.at[idx_cmb.at[j]], rows[b],
                                  sa[b]).wait()

        def issue_store(j, b):
            pltpu.async_copy(rows[b], out_at(j), so[b])

        def wait_store(j, b):
            pltpu.make_async_copy(rows[b], out_at(j), so[b]).wait()

        for j0 in range(LOOKAHEAD):
            issue_tok(j0, j0)

        pltpu.sync_copy(seg_hbm.at[wid], idx_cmb)

        tmp = rows[NBUF - 1]

        @pl.when(sid < MAX_LEN * NUM_SEG // PIECE)
        def _():
            pltpu.sync_copy(st_hbm, segv)
            poff = pl.multiple_of(lax.rem(sid, MAX_LEN // PIECE) * PIECE, 8)
            s2 = sid // (MAX_LEN // PIECE)
            pltpu.sync_copy(pos_hbm.at[pl.ds(poff, PIECE)],
                            tmp.at[pl.ds(0, PIECE)])

            def add_body(r, c):
                for g in range(EMBED // LANES):
                    sl = pl.ds(g * LANES, LANES)
                    tmp[r, sl] = tmp[r, sl] + segv[s2, sl]
                return c

            lax.fori_loop(0, PIECE, add_body, 0)
            coff = pl.multiple_of(sid * PIECE, 8)
            pltpu.sync_copy(tmp.at[pl.ds(0, PIECE)],
                            comb_sp.at[pl.ds(coff, PIECE)])

        def cidx_body(r, p):
            for g in range(EMBED // LANES):
                sl = pl.ds(g * LANES, LANES)
                idx_cmb[r, sl] = idx_cmb[r, sl] * MAX_LEN + p
                p = p + LANES
                p = jnp.where(p >= MAX_LEN, p - MAX_LEN, p)
            return p

        lax.fori_loop(0, CHUNKS_PER_W, cidx_body,
                      lax.broadcasted_iota(jnp.int32, (LANES,), 0))
        plsc.subcore_barrier()

        def phase(j, b, first=False, second=False, issue_next=True):
            wait_tok(j, b)
            issue_add(j, b)
            if not first:
                wait_add(j - 1, (b - 1) % NBUF)
                issue_store(j - 1, (b - 1) % NBUF)
            if not (first or second):
                wait_store(j - 2, (b - 2) % NBUF)
            if issue_next:
                issue_tok(j + LOOKAHEAD, (b + LOOKAHEAD) % NBUF)

        phase(0, 0, first=True)
        phase(1, 1, second=True)

        def body(i, carry):
            j0 = 2 + i * NBUF
            for t in range(NBUF):
                phase(j0 + t, (2 + t) % NBUF)
            return carry

        lax.fori_loop(0, (CHUNKS_PER_W - 2 - NBUF) // NBUF, body, 0)
        for j in range(CHUNKS_PER_W - NBUF, CHUNKS_PER_W):
            phase(j, j % NBUF,
                  issue_next=(j + LOOKAHEAD < CHUNKS_PER_W))
        j_last = CHUNKS_PER_W - 1
        wait_add(j_last, j_last % NBUF)
        issue_store(j_last, j_last % NBUF)
        wait_store(j_last - 1, (j_last - 1) % NBUF)
        wait_store(j_last, j_last % NBUF)

    return k(seq3d, seg3d, token_table, segmt_table, pos_table)


def kernel(sequence, segment, token_table, segmt_table, pos_table):
    seq = sequence.astype(jnp.int32).reshape(NW, CHUNKS_PER_W, CHUNK)
    seg = segment.astype(jnp.int32).reshape(NW, CHUNKS_PER_W, CHUNK)
    out = _sc_embed(seq, seg, token_table, segmt_table, pos_table)
    return out.reshape(BATCH, MAX_LEN, EMBED)

# --- scband reference (transcript-rebuilt; emitter-appended) ---
"""Pipeline reference for scband-bertembedding-9749575762423 (READ-ONLY COPY).

The authoritative reference and input builder live on the scoring server;
editing this copy changes nothing except your own understanding.
"""

import jax, jax.numpy as jnp
import numpy as np

VOCAB = 100000
NUM_SEG = 2
MAX_LEN = 200
EMBED = 128
BATCH = 1024


def setup_inputs(seed: int = 0) -> dict:
    key = jax.random.key(seed)
    k1, k2, k3, k4, k5 = jax.random.split(key, 5)
    sequence = jax.random.randint(k1, (BATCH, MAX_LEN), 0, VOCAB, dtype=jnp.int64) if jax.config.read('jax_enable_x64') else jax.random.randint(k1, (BATCH, MAX_LEN), 0, VOCAB, dtype=jnp.int32)
    segment = jax.random.randint(k2, (BATCH, MAX_LEN), 0, NUM_SEG, dtype=sequence.dtype)
    token_table = jax.random.normal(k3, (VOCAB, EMBED), dtype=jnp.float32) * 0.02
    segmt_table = jax.random.normal(k4, (NUM_SEG, EMBED), dtype=jnp.float32) * 0.02
    pos_table = jax.random.normal(k5, (MAX_LEN, EMBED), dtype=jnp.float32) * 0.02
    return {
        'sequence': sequence,
        'segment': segment,
        'token_table': token_table,
        'segmt_table': segmt_table,
        'pos_table': pos_table,
    }


def reference(sequence, segment, token_table, segmt_table, pos_table):
    # token_embed(sequence) + segmt_embed(segment) + pos_embed(arange(max_len))
    tok = jnp.take(token_table, sequence, axis=0)          # [B, L, D]
    seg = jnp.take(segmt_table, segment, axis=0)           # [B, L, D]
    pos = jnp.take(pos_table, jnp.arange(MAX_LEN), axis=0) # [L, D], broadcasts
    embed_val = tok + seg + pos
    return embed_val

if __name__ == "__main__":
    import jax
    _d = setup_inputs()
    print(jax.jit(kernel)(*tuple(_d.values())))

</pallas_src>

<mosaic_0001>
#map = affine_map<(d0, d1) -> (0, 0, 0)>
#map1 = affine_map<(d0, d1) -> (0, 0)>
module attributes {stable_mosaic.version = 14 : i64} {
  func.func @k(%arg0: i32, %arg1: i32, %arg2: memref<32x50x128xi32, #tpu.memory_space<hbm>>, %arg3: memref<32x50x128xi32, #tpu.memory_space<hbm>>, %arg4: memref<100000x128xf32, #tpu.memory_space<hbm>>, %arg5: memref<2x128xf32, #tpu.memory_space<hbm>>, %arg6: memref<200x128xf32, #tpu.memory_space<hbm>>, %arg7: memref<204800x128xf32, #tpu.memory_space<hbm>>, %arg8: memref<50x128xi32, #tpu.memory_space<vmem>>, %arg9: memref<50x128xi32, #tpu.memory_space<vmem>>, %arg10: memref<128x128xf32, #tpu.memory_space<vmem>>, %arg11: memref<128x128xf32, #tpu.memory_space<vmem>>, %arg12: memref<128x128xf32, #tpu.memory_space<vmem>>, %arg13: memref<128x128xf32, #tpu.memory_space<vmem>>, %arg14: memref<2x128xf32, #tpu.memory_space<vmem>>, %arg15: memref<400x128xf32, #tpu.memory_space<vmem_shared>>, %arg16: memref<!tpu.dma_semaphore, #tpu.memory_space<semaphore_mem>>, %arg17: memref<!tpu.dma_semaphore, #tpu.memory_space<semaphore_mem>>, %arg18: memref<!tpu.dma_semaphore, #tpu.memory_space<semaphore_mem>>, %arg19: memref<!tpu.dma_semaphore, #tpu.memory_space<semaphore_mem>>, %arg20: memref<!tpu.dma_semaphore, #tpu.memory_space<semaphore_mem>>, %arg21: memref<!tpu.dma_semaphore, #tpu.memory_space<semaphore_mem>>, %arg22: memref<!tpu.dma_semaphore, #tpu.memory_space<semaphore_mem>>, %arg23: memref<!tpu.dma_semaphore, #tpu.memory_space<semaphore_mem>>, %arg24: memref<!tpu.dma_semaphore, #tpu.memory_space<semaphore_mem>>, %arg25: memref<!tpu.dma_semaphore, #tpu.memory_space<semaphore_mem>>, %arg26: memref<!tpu.dma_semaphore, #tpu.memory_space<semaphore_mem>>, %arg27: memref<!tpu.dma_semaphore, #tpu.memory_space<semaphore_mem>>) attributes {dimension_semantics = [#tpu.dimension_semantics<core_parallel>, #tpu.dimension_semantics<subcore_parallel>], iteration_bounds = array<i64: 2, 16>, scalar_prefetch = 0 : i64, scratch_operands = 20 : i64, tpu.core_type = #tpu.core_type<sc_vector_subcore>, window_params = [{transform_indices = #map}, {transform_indices = #map}, {transform_indices = #map1}, {transform_indices = #map1}, {transform_indices = #map1}, {transform_indices = #map1}]} {
    %mul3A = arith.constant 2 : i32
    %mul3A_0 = arith.muli %arg1, %mul3A : i32
    %add3A = arith.addi %mul3A_0, %arg0 : i32
    %mul3A_1 = arith.constant 6400 : i32
    %mul3A_2 = arith.muli %add3A, %mul3A_1 : i32
    %multiple_of3A = tpu.assume_multiple %mul3A_2, 128 : i32
    "tpu.region"() ({
      %run_scoped3A = tpu.sem_alloc : memref<!tpu.dma_semaphore, #tpu.memory_space<semaphore_mem>>
      %dma_start3A_266 = arith.constant 0 : i32
      %dma_start3A_267 = arith.constant 0 : i32
      %dma_start3A_268 = tpu.memref_slice %arg2[%add3A, %dma_start3A_266, %dma_start3A_267] : memref<32x50x128xi32, #tpu.memory_space<hbm>> -> memref<1x50x128xi32, #tpu.memory_space<hbm>>
      %dma_start3A_269 = tpu.memref_squeeze %dma_start3A_268 : memref<1x50x128xi32, #tpu.memory_space<hbm>> -> memref<50x128xi32, #tpu.memory_space<hbm>>
      %dma_start3A_270 = arith.constant 0 : i32
      %dma_start3A_271 = arith.constant 0 : i32
      %dma_start3A_272 = tpu.memref_slice %arg2[%add3A, %dma_start3A_270, %dma_start3A_271] : memref<32x50x128xi32, #tpu.memory_space<hbm>> -> memref<1x50x128xi32, #tpu.memory_space<hbm>>
      %dma_start3A_273 = tpu.memref_squeeze %dma_start3A_272 : memref<1x50x128xi32, #tpu.memory_space<hbm>> -> memref<50x128xi32, #tpu.memory_space<hbm>>
      tpu.enqueue_dma source(%dma_start3A_273 : memref<50x128xi32, #tpu.memory_space<hbm>>) target(%arg8 : memref<50x128xi32, #tpu.memory_space<vmem>>) target_semaphore(%run_scoped3A : memref<!tpu.dma_semaphore, #tpu.memory_space<semaphore_mem>>)
      %dma_wait3A_274 = arith.constant 0 : i32
      %dma_wait3A_275 = arith.constant 0 : i32
      %dma_wait3A_276 = tpu.memref_slice %arg2[%add3A, %dma_wait3A_274, %dma_wait3A_275] : memref<32x50x128xi32, #tpu.memory_space<hbm>> -> memref<1x50x128xi32, #tpu.memory_space<hbm>>
      %dma_wait3A_277 = tpu.memref_squeeze %dma_wait3A_276 : memref<1x50x128xi32, #tpu.memory_space<hbm>> -> memref<50x128xi32, #tpu.memory_space<hbm>>
      %dma_wait3A_278 = arith.constant 0 : i32
      %dma_wait3A_279 = arith.constant 0 : i32
      %dma_wait3A_280 = tpu.memref_slice %arg2[%add3A, %dma_wait3A_278, %dma_wait3A_279] : memref<32x50x128xi32, #tpu.memory_space<hbm>> -> memref<1x50x128xi32, #tpu.memory_space<hbm>>
      %dma_wait3A_281 = tpu.memref_squeeze %dma_wait3A_280 : memref<1x50x128xi32, #tpu.memory_space<hbm>> -> memref<50x128xi32, #tpu.memory_space<hbm>>
      tpu.wait_dma2 semaphore(%run_scoped3A : memref<!tpu.dma_semaphore, #tpu.memory_space<semaphore_mem>>) src(%dma_wait3A_281 : memref<50x128xi32, #tpu.memory_space<hbm>>) dst(%arg8 : memref<50x128xi32, #tpu.memory_space<vmem>>)
      tpu.yield
    }) : () -> ()
    %dma_start3A = arith.constant 0 : i32
    %dma_start3A_3 = arith.constant 0 : i32
    %dma_start3A_4 = tpu.memref_slice %arg8[%dma_start3A, %dma_start3A_3] : memref<50x128xi32, #tpu.memory_space<vmem>> -> memref<1x128xi32, #tpu.memory_space<vmem>>
    %dma_start3A_5 = tpu.memref_squeeze %dma_start3A_4 : memref<1x128xi32, #tpu.memory_space<vmem>> -> memref<128xi32, #tpu.memory_space<vmem>>
    %dma_start3A_6 = arith.constant 0 : i32
    %dma_start3A_7 = arith.constant 0 : i32
    %dma_start3A_8 = tpu.memref_slice %arg4[%dma_start3A_6, %dma_start3A_7] : memref<100000x128xf32, #tpu.memory_space<hbm>> -> memref<100000x128xf32, #tpu.memory_space<hbm>>
    tpu.enqueue_indirect_dma source(%dma_start3A_8 : memref<100000x128xf32, #tpu.memory_space<hbm>>) target(%arg10 : memref<128x128xf32, #tpu.memory_space<vmem>>) offsets(%dma_start3A_5 : memref<128xi32, #tpu.memory_space<vmem>>) semaphore(%arg16 : memref<!tpu.dma_semaphore, #tpu.memory_space<semaphore_mem>>)
    %dma_start3A_9 = arith.constant 1 : i32
    %dma_start3A_10 = arith.constant 0 : i32
    %dma_start3A_11 = tpu.memref_slice %arg8[%dma_start3A_9, %dma_start3A_10] : memref<50x128xi32, #tpu.memory_space<vmem>> -> memref<1x128xi32, #tpu.memory_space<vmem>>
    %dma_start3A_12 = tpu.memref_squeeze %dma_start3A_11 : memref<1x128xi32, #tpu.memory_space<vmem>> -> memref<128xi32, #tpu.memory_space<vmem>>
    %dma_start3A_13 = arith.constant 0 : i32
    %dma_start3A_14 = arith.constant 0 : i32
    %dma_start3A_15 = tpu.memref_slice %arg4[%dma_start3A_13, %dma_start3A_14] : memref<100000x128xf32, #tpu.memory_space<hbm>> -> memref<100000x128xf32, #tpu.memory_space<hbm>>
    tpu.enqueue_indirect_dma source(%dma_start3A_15 : memref<100000x128xf32, #tpu.memory_space<hbm>>) target(%arg11 : memref<128x128xf32, #tpu.memory_space<vmem>>) offsets(%dma_start3A_12 : memref<128xi32, #tpu.memory_space<vmem>>) semaphore(%arg17 : memref<!tpu.dma_semaphore, #tpu.memory_space<semaphore_mem>>)
    "tpu.region"() ({
      %run_scoped3A = tpu.sem_alloc : memref<!tpu.dma_semaphore, #tpu.memory_space<semaphore_mem>>
      %dma_start3A_266 = arith.constant 0 : i32
      %dma_start3A_267 = arith.constant 0 : i32
      %dma_start3A_268 = tpu.memref_slice %arg3[%add3A, %dma_start3A_266, %dma_start3A_267] : memref<32x50x128xi32, #tpu.memory_space<hbm>> -> memref<1x50x128xi32, #tpu.memory_space<hbm>>
      %dma_start3A_269 = tpu.memref_squeeze %dma_start3A_268 : memref<1x50x128xi32, #tpu.memory_space<hbm>> -> memref<50x128xi32, #tpu.memory_space<hbm>>
      %dma_start3A_270 = arith.constant 0 : i32
      %dma_start3A_271 = arith.constant 0 : i32
      %dma_start3A_272 = tpu.memref_slice %arg3[%add3A, %dma_start3A_270, %dma_start3A_271] : memref<32x50x128xi32, #tpu.memory_space<hbm>> -> memref<1x50x128xi32, #tpu.memory_space<hbm>>
      %dma_start3A_273 = tpu.memref_squeeze %dma_start3A_272 : memref<1x50x128xi32, #tpu.memory_space<hbm>> -> memref<50x128xi32, #tpu.memory_space<hbm>>
      tpu.enqueue_dma source(%dma_start3A_273 : memref<50x128xi32, #tpu.memory_space<hbm>>) target(%arg9 : memref<50x128xi32, #tpu.memory_space<vmem>>) target_semaphore(%run_scoped3A : memref<!tpu.dma_semaphore, #tpu.memory_space<semaphore_mem>>)
      %dma_wait3A_274 = arith.constant 0 : i32
      %dma_wait3A_275 = arith.constant 0 : i32
      %dma_wait3A_276 = tpu.memref_slice %arg3[%add3A, %dma_wait3A_274, %dma_wait3A_275] : memref<32x50x128xi32, #tpu.memory_space<hbm>> -> memref<1x50x128xi32, #tpu.memory_space<hbm>>
      %dma_wait3A_277 = tpu.memref_squeeze %dma_wait3A_276 : memref<1x50x128xi32, #tpu.memory_space<hbm>> -> memref<50x128xi32, #tpu.memory_space<hbm>>
      %dma_wait3A_278 = arith.constant 0 : i32
      %dma_wait3A_279 = arith.constant 0 : i32
      %dma_wait3A_280 = tpu.memref_slice %arg3[%add3A, %dma_wait3A_278, %dma_wait3A_279] : memref<32x50x128xi32, #tpu.memory_space<hbm>> -> memref<1x50x128xi32, #tpu.memory_space<hbm>>
      %dma_wait3A_281 = tpu.memref_squeeze %dma_wait3A_280 : memref<1x50x128xi32, #tpu.memory_space<hbm>> -> memref<50x128xi32, #tpu.memory_space<hbm>>
      tpu.wait_dma2 semaphore(%run_scoped3A : memref<!tpu.dma_semaphore, #tpu.memory_space<semaphore_mem>>) src(%dma_wait3A_281 : memref<50x128xi32, #tpu.memory_space<hbm>>) dst(%arg9 : memref<50x128xi32, #tpu.memory_space<vmem>>)
      tpu.yield
    }) : () -> ()
    %lt3A = arith.constant 10 : i32
    %lt3A_16 = arith.cmpi slt, %arg1, %lt3A : i32
    %convert_element_type3A = arith.extui %lt3A_16 : i1 to i32
    %cond3A = arith.constant 0 : i32
    %cond3A_17 = arith.cmpi ne, %convert_element_type3A, %cond3A : i32
    scf.if %cond3A_17 {
      "tpu.region"() ({
        %run_scoped3A = tpu.sem_alloc : memref<!tpu.dma_semaphore, #tpu.memory_space<semaphore_mem>>
        tpu.enqueue_dma source(%arg5 : memref<2x128xf32, #tpu.memory_space<hbm>>) target(%arg14 : memref<2x128xf32, #tpu.memory_space<vmem>>) target_semaphore(%run_scoped3A : memref<!tpu.dma_semaphore, #tpu.memory_space<semaphore_mem>>)
        tpu.wait_dma2 semaphore(%run_scoped3A : memref<!tpu.dma_semaphore, #tpu.memory_space<semaphore_mem>>) src(%arg5 : memref<2x128xf32, #tpu.memory_space<hbm>>) dst(%arg14 : memref<2x128xf32, #tpu.memory_space<vmem>>)
        tpu.yield
      }) : () -> ()
      %rem3A = arith.constant 5 : i32
      %rem3A_266 = arith.remsi %arg1, %rem3A : i32
      %mul3A_267 = arith.constant 40 : i32
      %mul3A_268 = arith.muli %rem3A_266, %mul3A_267 : i32
      %multiple_of3A_269 = tpu.assume_multiple %mul3A_268, 8 : i32
      %jit3A = arith.constant 5 : i32
      %div3A = arith.divsi %arg1, %jit3A : i32
      %sign3A = arith.constant 0 : i32
      %sign3A_270 = arith.cmpi sgt, %arg1, %sign3A : i32
      %sign3A_271 = arith.extui %sign3A_270 : i1 to i32
      %sign3A_272 = arith.constant 0 : i32
      %sign3A_273 = arith.cmpi slt, %arg1, %sign3A_272 : i32
      %sign3A_274 = arith.extui %sign3A_273 : i1 to i32
      %sign3A_275 = arith.subi %sign3A_271, %sign3A_274 : i32
      %sign3A_276 = arith.constant 0 : i32
      %sign3A_277 = arith.cmpi sgt, %jit3A, %sign3A_276 : i32
      %sign3A_278 = arith.extui %sign3A_277 : i1 to i32
      %sign3A_279 = arith.constant 0 : i32
      %sign3A_280 = arith.cmpi slt, %jit3A, %sign3A_279 : i32
      %sign3A_281 = arith.extui %sign3A_280 : i1 to i32
      %sign3A_282 = arith.subi %sign3A_278, %sign3A_281 : i32
      %ne3A = arith.cmpi ne, %sign3A_275, %sign3A_282 : i32
      %rem3A_283 = arith.remsi %arg1, %jit3A : i32
      %ne3A_284 = arith.constant 0 : i32
      %ne3A_285 = arith.cmpi ne, %rem3A_283, %ne3A_284 : i32
      %and3A = arith.andi %ne3A, %ne3A_285 : i1
      %sub3A = arith.constant 1 : i32
      %sub3A_286 = arith.subi %div3A, %sub3A : i32
      %select_n3A = arith.select %and3A, %sub3A_286, %div3A : i32
      "tpu.region"() ({
        %run_scoped3A = tpu.sem_alloc : memref<!tpu.dma_semaphore, #tpu.memory_space<semaphore_mem>>
        %dma_start3A_296 = arith.constant 0 : i32
        %dma_start3A_297 = arith.constant 0 : i32
        %dma_start3A_298 = tpu.memref_slice %arg13[%dma_start3A_296, %dma_start3A_297] : memref<128x128xf32, #tpu.memory_space<vmem>> -> memref<40x128xf32, #tpu.memory_space<vmem>>
        %dma_start3A_299 = arith.constant 0 : i32
        %dma_start3A_300 = tpu.memref_slice %arg6[%multiple_of3A_269, %dma_start3A_299] : memref<200x128xf32, #tpu.memory_space<hbm>> -> memref<40x128xf32, #tpu.memory_space<hbm>>
        %dma_start3A_301 = arith.constant 0 : i32
        %dma_start3A_302 = arith.constant 0 : i32
        %dma_start3A_303 = tpu.memref_slice %arg13[%dma_start3A_301, %dma_start3A_302] : memref<128x128xf32, #tpu.memory_space<vmem>> -> memref<40x128xf32, #tpu.memory_space<vmem>>
        %dma_start3A_304 = arith.constant 0 : i32
        %dma_start3A_305 = tpu.memref_slice %arg6[%multiple_of3A_269, %dma_start3A_304] : memref<200x128xf32, #tpu.memory_space<hbm>> -> memref<40x128xf32, #tpu.memory_space<hbm>>
        tpu.enqueue_dma source(%dma_start3A_305 : memref<40x128xf32, #tpu.memory_space<hbm>>) target(%dma_start3A_303 : memref<40x128xf32, #tpu.memory_space<vmem>>) target_semaphore(%run_scoped3A : memref<!tpu.dma_semaphore, #tpu.memory_space<semaphore_mem>>)
        %dma_wait3A_306 = arith.constant 0 : i32
        %dma_wait3A_307 = arith.constant 0 : i32
        %dma_wait3A_308 = tpu.memref_slice %arg13[%dma_wait3A_306, %dma_wait3A_307] : memref<128x128xf32, #tpu.memory_space<vmem>> -> memref<40x128xf32, #tpu.memory_space<vmem>>
        %dma_wait3A_309 = arith.constant 0 : i32
        %dma_wait3A_310 = tpu.memref_slice %arg6[%multiple_of3A_269, %dma_wait3A_309] : memref<200x128xf32, #tpu.memory_space<hbm>> -> memref<40x128xf32, #tpu.memory_space<hbm>>
        %dma_wait3A_311 = arith.constant 0 : i32
        %dma_wait3A_312 = arith.constant 0 : i32
        %dma_wait3A_313 = tpu.memref_slice %arg13[%dma_wait3A_311, %dma_wait3A_312] : memref<128x128xf32, #tpu.memory_space<vmem>> -> memref<40x128xf32, #tpu.memory_space<vmem>>
        %dma_wait3A_314 = arith.constant 0 : i32
        %dma_wait3A_315 = tpu.memref_slice %arg6[%multiple_of3A_269, %dma_wait3A_314] : memref<200x128xf32, #tpu.memory_space<hbm>> -> memref<40x128xf32, #tpu.memory_space<hbm>>
        tpu.wait_dma2 semaphore(%run_scoped3A : memref<!tpu.dma_semaphore, #tpu.memory_space<semaphore_mem>>) src(%dma_wait3A_315 : memref<40x128xf32, #tpu.memory_space<hbm>>) dst(%dma_wait3A_313 : memref<40x128xf32, #tpu.memory_space<vmem>>)
        tpu.yield
      }) : () -> ()
      %scan3A_287 = arith.constant 0 : i32
      %scan3A_288 = arith.constant 0 : i32
      %scan3A_289 = arith.constant 40 : i32
      %scan3A_290 = arith.addi %scan3A_288, %scan3A_289 : i32
      %scan3A_291 = arith.constant 1 : i32
      scf.for %scan3A_296 = %scan3A_288 to %scan3A_290 step %scan3A_291  : i32 {
        %get3A = arith.index_cast %scan3A_296 : i32 to index
        %get3A_297 = arith.constant 0 : index
        %get3A_298 = tpu.vector_load %arg13[%get3A, %get3A_297] {strides = array<i32>} : memref<128x128xf32, #tpu.memory_space<vmem>>, vector<1x16xf32>,
        %get3A_299 = vector.shape_cast %get3A_298 : vector<1x16xf32> to vector<16xf32>
        %get3A_300 = arith.index_cast %select_n3A : i32 to index
        %get3A_301 = arith.constant 0 : index
        %get3A_302 = tpu.vector_load %arg14[%get3A_300, %get3A_301] {strides = array<i32>} : memref<2x128xf32, #tpu.memory_space<vmem>>, vector<1x16xf32>,
        %get3A_303 = vector.shape_cast %get3A_302 : vector<1x16xf32> to vector<16xf32>
        %add3A_304 = arith.addf %get3A_299, %get3A_303 : vector<16xf32>
        %swap3A = arith.index_cast %scan3A_296 : i32 to index
        %swap3A_305 = arith.constant 0 : index
        %swap3A_306 = tpu.vector_load %arg13[%swap3A, %swap3A_305] {strides = array<i32>} : memref<128x128xf32, #tpu.memory_space<vmem>>, vector<1x16xf32>,
        %swap3A_307 = vector.shape_cast %swap3A_306 : vector<1x16xf32> to vector<16xf32>
        %swap3A_308 = vector.shape_cast %add3A_304 : vector<16xf32> to vector<1x16xf32>
        tpu.vector_store %arg13[%swap3A, %swap3A_305], %swap3A_308 {strides = array<i32>} : memref<128x128xf32, #tpu.memory_space<vmem>>, vector<1x16xf32>,
        %get3A_309 = arith.index_cast %scan3A_296 : i32 to index
        %get3A_310 = arith.constant 16 : index
        %get3A_311 = tpu.vector_load %arg13[%get3A_309, %get3A_310] {strides = array<i32>} : memref<128x128xf32, #tpu.memory_space<vmem>>, vector<1x16xf32>,
        %get3A_312 = vector.shape_cast %get3A_311 : vector<1x16xf32> to vector<16xf32>
        %get3A_313 = arith.index_cast %select_n3A : i32 to index
        %get3A_314 = arith.constant 16 : index
        %get3A_315 = tpu.vector_load %arg14[%get3A_313, %get3A_314] {strides = array<i32>} : memref<2x128xf32, #tpu.memory_space<vmem>>, vector<1x16xf32>,
        %get3A_316 = vector.shape_cast %get3A_315 : vector<1x16xf32> to vector<16xf32>
        %add3A_317 = arith.addf %get3A_312, %get3A_316 : vector<16xf32>
        %swap3A_318 = arith.index_cast %scan3A_296 : i32 to index
        %swap3A_319 = arith.constant 16 : index
        %swap3A_320 = tpu.vector_load %arg13[%swap3A_318, %swap3A_319] {strides = array<i32>} : memref<128x128xf32, #tpu.memory_space<vmem>>, vector<1x16xf32>,
        %swap3A_321 = vector.shape_cast %swap3A_320 : vector<1x16xf32> to vector<16xf32>
        %swap3A_322 = vector.shape_cast %add3A_317 : vector<16xf32> to vector<1x16xf32>
        tpu.vector_store %arg13[%swap3A_318, %swap3A_319], %swap3A_322 {strides = array<i32>} : memref<128x128xf32, #tpu.memory_space<vmem>>, vector<1x16xf32>,
        %get3A_323 = arith.index_cast %scan3A_296 : i32 to index
        %get3A_324 = arith.constant 32 : index
        %get3A_325 = tpu.vector_load %arg13[%get3A_323, %get3A_324] {strides = array<i32>} : memref<128x128xf32, #tpu.memory_space<vmem>>, vector<1x16xf32>,
        %get3A_326 = vector.shape_cast %get3A_325 : vector<1x16xf32> to vector<16xf32>
        %get3A_327 = arith.index_cast %select_n3A : i32 to index
        %get3A_328 = arith.constant 32 : index
        %get3A_329 = tpu.vector_load %arg14[%get3A_327, %get3A_328] {strides = array<i32>} : memref<2x128xf32, #tpu.memory_space<vmem>>, vector<1x16xf32>,
        %get3A_330 = vector.shape_cast %get3A_329 : vector<1x16xf32> to vector<16xf32>
        %add3A_331 = arith.addf %get3A_326, %get3A_330 : vector<16xf32>
        %swap3A_332 = arith.index_cast %scan3A_296 : i32 to index
        %swap3A_333 = arith.constant 32 : index
        %swap3A_334 = tpu.vector_load %arg13[%swap3A_332, %swap3A_333] {strides = array<i32>} : memref<128x128xf32, #tpu.memory_space<vmem>>, vector<1x16xf32>,
        %swap3A_335 = vector.shape_cast %swap3A_334 : vector<1x16xf32> to vector<16xf32>
        %swap3A_336 = vector.shape_cast %add3A_331 : vector<16xf32> to vector<1x16xf32>
        tpu.vector_store %arg13[%swap3A_332, %swap3A_333], %swap3A_336 {strides = array<i32>} : memref<128x128xf32, #tpu.memory_space<vmem>>, vector<1x16xf32>,
        %get3A_337 = arith.index_cast %scan3A_296 : i32 to index
        %get3A_338 = arith.constant 48 : index
        %get3A_339 = tpu.vector_load %arg13[%get3A_337, %get3A_338] {strides = array<i32>} : memref<128x128xf32, #tpu.memory_space<vmem>>, vector<1x16xf32>,
        %get3A_340 = vector.shape_cast %get3A_339 : vector<1x16xf32> to vector<16xf32>
        %get3A_341 = arith.index_cast %select_n3A : i32 to index
        %get3A_342 = arith.constant 48 : index
        %get3A_343 = tpu.vector_load %arg14[%get3A_341, %get3A_342] {strides = array<i32>} : memref<2x128xf32, #tpu.memory_space<vmem>>, vector<1x16xf32>,
        %get3A_344 = vector.shape_cast %get3A_343 : vector<1x16xf32> to vector<16xf32>
        %add3A_345 = arith.addf %get3A_340, %get3A_344 : vector<16xf32>
        %swap3A_346 = arith.index_cast %scan3A_296 : i32 to index
        %swap3A_347 = arith.constant 48 : index
        %swap3A_348 = tpu.vector_load %arg13[%swap3A_346, %swap3A_347] {strides = array<i32>} : memref<128x128xf32, #tpu.memory_space<vmem>>, vector<1x16xf32>,
        %swap3A_349 = vector.shape_cast %swap3A_348 : vector<1x16xf32> to vector<16xf32>
        %swap3A_350 = vector.shape_cast %add3A_345 : vector<16xf32> to vector<1x16xf32>
        tpu.vector_store %arg13[%swap3A_346, %swap3A_347], %swap3A_350 {strides = array<i32>} : memref<128x128xf32, #tpu.memory_space<vmem>>, vector<1x16xf32>,
        %get3A_351 = arith.index_cast %scan3A_296 : i32 to index
        %get3A_352 = arith.constant 64 : index
        %get3A_353 = tpu.vector_load %arg13[%get3A_351, %get3A_352] {strides = array<i32>} : memref<128x128xf32, #tpu.memory_space<vmem>>, vector<1x16xf32>,
        %get3A_354 = vector.shape_cast %get3A_353 : vector<1x16xf32> to vector<16xf32>
        %get3A_355 = arith.index_cast %select_n3A : i32 to index
        %get3A_356 = arith.constant 64 : index
        %get3A_357 = tpu.vector_load %arg14[%get3A_355, %get3A_356] {strides = array<i32>} : memref<2x128xf32, #tpu.memory_space<vmem>>, vector<1x16xf32>,
        %get3A_358 = vector.shape_cast %get3A_357 : vector<1x16xf32> to vector<16xf32>
        %add3A_359 = arith.addf %get3A_354, %get3A_358 : vector<16xf32>
        %swap3A_360 = arith.index_cast %scan3A_296 : i32 to index
        %swap3A_361 = arith.constant 64 : index
        %swap3A_362 = tpu.vector_load %arg13[%swap3A_360, %swap3A_361] {strides = array<i32>} : memref<128x128xf32, #tpu.memory_space<vmem>>, vector<1x16xf32>,
        %swap3A_363 = vector.shape_cast %swap3A_362 : vector<1x16xf32> to vector<16xf32>
        %swap3A_364 = vector.shape_cast %add3A_359 : vector<16xf32> to vector<1x16xf32>
        tpu.vector_store %arg13[%swap3A_360, %swap3A_361], %swap3A_364 {strides = array<i32>} : memref<128x128xf32, #tpu.memory_space<vmem>>, vector<1x16xf32>,
        %get3A_365 = arith.index_cast %scan3A_296 : i32 to index
        %get3A_366 = arith.constant 80 : index
        %get3A_367 = tpu.vector_load %arg13[%get3A_365, %get3A_366] {strides = array<i32>} : memref<128x128xf32, #tpu.memory_space<vmem>>, vector<1x16xf32>,
        %get3A_368 = vector.shape_cast %get3A_367 : vector<1x16xf32> to vector<16xf32>
        %get3A_369 = arith.index_cast %select_n3A : i32 to index
        %get3A_370 = arith.constant 80 : index
        %get3A_371 = tpu.vector_load %arg14[%get3A_369, %get3A_370] {strides = array<i32>} : memref<2x128xf32, #tpu.memory_space<vmem>>, vector<1x16xf32>,
        %get3A_372 = vector.shape_cast %get3A_371 : vector<1x16xf32> to vector<16xf32>
        %add3A_373 = arith.addf %get3A_368, %get3A_372 : vector<16xf32>
        %swap3A_374 = arith.index_cast %scan3A_296 : i32 to index
        %swap3A_375 = arith.constant 80 : index
        %swap3A_376 = tpu.vector_load %arg13[%swap3A_374, %swap3A_375] {strides = array<i32>} : memref<128x128xf32, #tpu.memory_space<vmem>>, vector<1x16xf32>,
        %swap3A_377 = vector.shape_cast %swap3A_376 : vector<1x16xf32> to vector<16xf32>
        %swap3A_378 = vector.shape_cast %add3A_373 : vector<16xf32> to vector<1x16xf32>
        tpu.vector_store %arg13[%swap3A_374, %swap3A_375], %swap3A_378 {strides = array<i32>} : memref<128x128xf32, #tpu.memory_space<vmem>>, vector<1x16xf32>,
        %get3A_379 = arith.index_cast %scan3A_296 : i32 to index
        %get3A_380 = arith.constant 96 : index
        %get3A_381 = tpu.vector_load %arg13[%get3A_379, %get3A_380] {strides = array<i32>} : memref<128x128xf32, #tpu.memory_space<vmem>>, vector<1x16xf32>,
        %get3A_382 = vector.shape_cast %get3A_381 : vector<1x16xf32> to vector<16xf32>
        %get3A_383 = arith.index_cast %select_n3A : i32 to index
        %get3A_384 = arith.constant 96 : index
        %get3A_385 = tpu.vector_load %arg14[%get3A_383, %get3A_384] {strides = array<i32>} : memref<2x128xf32, #tpu.memory_space<vmem>>, vector<1x16xf32>,
        %get3A_386 = vector.shape_cast %get3A_385 : vector<1x16xf32> to vector<16xf32>
        %add3A_387 = arith.addf %get3A_382, %get3A_386 : vector<16xf32>
        %swap3A_388 = arith.index_cast %scan3A_296 : i32 to index
        %swap3A_389 = arith.constant 96 : index
        %swap3A_390 = tpu.vector_load %arg13[%swap3A_388, %swap3A_389] {strides = array<i32>} : memref<128x128xf32, #tpu.memory_space<vmem>>, vector<1x16xf32>,
        %swap3A_391 = vector.shape_cast %swap3A_390 : vector<1x16xf32> to vector<16xf32>
        %swap3A_392 = vector.shape_cast %add3A_387 : vector<16xf32> to vector<1x16xf32>
        tpu.vector_store %arg13[%swap3A_388, %swap3A_389], %swap3A_392 {strides = array<i32>} : memref<128x128xf32, #tpu.memory_space<vmem>>, vector<1x16xf32>,
        %get3A_393 = arith.index_cast %scan3A_296 : i32 to index
        %get3A_394 = arith.constant 112 : index
        %get3A_395 = tpu.vector_load %arg13[%get3A_393, %get3A_394] {strides = array<i32>} : memref<128x128xf32, #tpu.memory_space<vmem>>, vector<1x16xf32>,
        %get3A_396 = vector.shape_cast %get3A_395 : vector<1x16xf32> to vector<16xf32>
        %get3A_397 = arith.index_cast %select_n3A : i32 to index
        %get3A_398 = arith.constant 112 : index
        %get3A_399 = tpu.vector_load %arg14[%get3A_397, %get3A_398] {strides = array<i32>} : memref<2x128xf32, #tpu.memory_space<vmem>>, vector<1x16xf32>,
        %get3A_400 = vector.shape_cast %get3A_399 : vector<1x16xf32> to vector<16xf32>
        %add3A_401 = arith.addf %get3A_396, %get3A_400 : vector<16xf32>
        %swap3A_402 = arith.index_cast %scan3A_296 : i32 to index
        %swap3A_403 = arith.constant 112 : index
        %swap3A_404 = tpu.vector_load %arg13[%swap3A_402, %swap3A_403] {strides = array<i32>} : memref<128x128xf32, #tpu.memory_space<vmem>>, vector<1x16xf32>,
        %swap3A_405 = vector.shape_cast %swap3A_404 : vector<1x16xf32> to vector<16xf32>
        %swap3A_406 = vector.shape_cast %add3A_401 : vector<16xf32> to vector<1x16xf32>
        tpu.vector_store %arg13[%swap3A_402, %swap3A_403], %swap3A_406 {strides = array<i32>} : memref<128x128xf32, #tpu.memory_space<vmem>>, vector<1x16xf32>,
      }
      %scan3A_292 = arith.constant 40 : i32
      %mul3A_293 = arith.constant 40 : i32
      %mul3A_294 = arith.muli %arg1, %mul3A_293 : i32
      %multiple_of3A_295 = tpu.assume_multiple %mul3A_294, 8 : i32
      "tpu.region"() ({
        %run_scoped3A = tpu.sem_alloc : memref<!tpu.dma_semaphore, #tpu.memory_space<semaphore_mem>>
        %dma_start3A_296 = arith.constant 0 : i32
        %dma_start3A_297 = arith.constant 0 : i32
        %dma_start3A_298 = tpu.memref_slice %arg13[%dma_start3A_296, %dma_start3A_297] : memref<128x128xf32, #tpu.memory_space<vmem>> -> memref<40x128xf32, #tpu.memory_space<vmem>>
        %dma_start3A_299 = arith.constant 0 : i32
        %dma_start3A_300 = tpu.memref_slice %arg15[%multiple_of3A_295, %dma_start3A_299] : memref<400x128xf32, #tpu.memory_space<vmem_shared>> -> memref<40x128xf32, #tpu.memory_space<vmem_shared>>
        %dma_start3A_301 = arith.constant 0 : i32
        %dma_start3A_302 = tpu.memref_slice %arg15[%multiple_of3A_295, %dma_start3A_301] : memref<400x128xf32, #tpu.memory_space<vmem_shared>> -> memref<40x128xf32, #tpu.memory_space<vmem_shared>>
        %dma_start3A_303 = arith.constant 0 : i32
        %dma_start3A_304 = arith.constant 0 : i32
        %dma_start3A_305 = tpu.memref_slice %arg13[%dma_start3A_303, %dma_start3A_304] : memref<128x128xf32, #tpu.memory_space<vmem>> -> memref<40x128xf32, #tpu.memory_space<vmem>>
        tpu.enqueue_dma source(%dma_start3A_305 : memref<40x128xf32, #tpu.memory_space<vmem>>) target(%dma_start3A_302 : memref<40x128xf32, #tpu.memory_space<vmem_shared>>) target_semaphore(%run_scoped3A : memref<!tpu.dma_semaphore, #tpu.memory_space<semaphore_mem>>)
        %dma_wait3A_306 = arith.constant 0 : i32
        %dma_wait3A_307 = arith.constant 0 : i32
        %dma_wait3A_308 = tpu.memref_slice %arg13[%dma_wait3A_306, %dma_wait3A_307] : memref<128x128xf32, #tpu.memory_space<vmem>> -> memref<40x128xf32, #tpu.memory_space<vmem>>
        %dma_wait3A_309 = arith.constant 0 : i32
        %dma_wait3A_310 = tpu.memref_slice %arg15[%multiple_of3A_295, %dma_wait3A_309] : memref<400x128xf32, #tpu.memory_space<vmem_shared>> -> memref<40x128xf32, #tpu.memory_space<vmem_shared>>
        %dma_wait3A_311 = arith.constant 0 : i32
        %dma_wait3A_312 = tpu.memref_slice %arg15[%multiple_of3A_295, %dma_wait3A_311] : memref<400x128xf32, #tpu.memory_space<vmem_shared>> -> memref<40x128xf32, #tpu.memory_space<vmem_shared>>
        %dma_wait3A_313 = arith.constant 0 : i32
        %dma_wait3A_314 = arith.constant 0 : i32
        %dma_wait3A_315 = tpu.memref_slice %arg13[%dma_wait3A_313, %dma_wait3A_314] : memref<128x128xf32, #tpu.memory_space<vmem>> -> memref<40x128xf32, #tpu.memory_space<vmem>>
        tpu.wait_dma2 semaphore(%run_scoped3A : memref<!tpu.dma_semaphore, #tpu.memory_space<semaphore_mem>>) src(%dma_wait3A_315 : memref<40x128xf32, #tpu.memory_space<vmem>>) dst(%dma_wait3A_312 : memref<40x128xf32, #tpu.memory_space<vmem_shared>>)
        tpu.yield
      }) : () -> ()
    } else {
    }
    %iota3A = tpu.iota {dimensions = array<i32: 0>} : vector<16xi32>
    %scan3A = arith.constant 0 : i32
    %scan3A_18 = arith.constant 50 : i32
    %scan3A_19 = arith.addi %scan3A, %scan3A_18 : i32
    %scan3A_20 = arith.constant 1 : i32
    %scan3A_21 = scf.for %scan3A_266 = %scan3A to %scan3A_19 step %scan3A_20 iter_args(%scan3A_267 = %iota3A) -> (vector<16xi32>)  : i32 {
      %get3A = arith.index_cast %scan3A_266 : i32 to index
      %get3A_268 = arith.constant 0 : index
      %get3A_269 = tpu.vector_load %arg9[%get3A, %get3A_268] {strides = array<i32>} : memref<50x128xi32, #tpu.memory_space<vmem>>, vector<1x16xi32>,
      %get3A_270 = vector.shape_cast %get3A_269 : vector<1x16xi32> to vector<16xi32>
      %mul3A_271 = arith.constant 200 : i32
      %mul3A_272 = vector.broadcast %mul3A_271 : i32 to vector<16xi32>
      %mul3A_273 = arith.muli %get3A_270, %mul3A_272 : vector<16xi32>
      %add3A_274 = arith.addi %mul3A_273, %scan3A_267 : vector<16xi32>
      %swap3A = arith.index_cast %scan3A_266 : i32 to index
      %swap3A_275 = arith.constant 0 : index
      %swap3A_276 = tpu.vector_load %arg9[%swap3A, %swap3A_275] {strides = array<i32>} : memref<50x128xi32, #tpu.memory_space<vmem>>, vector<1x16xi32>,
      %swap3A_277 = vector.shape_cast %swap3A_276 : vector<1x16xi32> to vector<16xi32>
      %swap3A_278 = vector.shape_cast %add3A_274 : vector<16xi32> to vector<1x16xi32>
      tpu.vector_store %arg9[%swap3A, %swap3A_275], %swap3A_278 {strides = array<i32>} : memref<50x128xi32, #tpu.memory_space<vmem>>, vector<1x16xi32>,
      %add3A_279 = arith.constant 16 : i32
      %add3A_280 = vector.broadcast %add3A_279 : i32 to vector<16xi32>
      %add3A_281 = arith.addi %scan3A_267, %add3A_280 : vector<16xi32>
      %ge3A = arith.constant 200 : i32
      %ge3A_282 = vector.broadcast %ge3A : i32 to vector<16xi32>
      %ge3A_283 = arith.cmpi sge, %add3A_281, %ge3A_282 : vector<16xi32>
      %sub3A = arith.constant 200 : i32
      %sub3A_284 = vector.broadcast %sub3A : i32 to vector<16xi32>
      %sub3A_285 = arith.subi %add3A_281, %sub3A_284 : vector<16xi32>
      %select_n3A = arith.select %ge3A_283, %sub3A_285, %add3A_281 : vector<16xi1>, vector<16xi32>
      %get3A_286 = arith.index_cast %scan3A_266 : i32 to index
      %get3A_287 = arith.constant 16 : index
      %get3A_288 = tpu.vector_load %arg9[%get3A_286, %get3A_287] {strides = array<i32>} : memref<50x128xi32, #tpu.memory_space<vmem>>, vector<1x16xi32>,
      %get3A_289 = vector.shape_cast %get3A_288 : vector<1x16xi32> to vector<16xi32>
      %mul3A_290 = arith.constant 200 : i32
      %mul3A_291 = vector.broadcast %mul3A_290 : i32 to vector<16xi32>
      %mul3A_292 = arith.muli %get3A_289, %mul3A_291 : vector<16xi32>
      %add3A_293 = arith.addi %mul3A_292, %select_n3A : vector<16xi32>
      %swap3A_294 = arith.index_cast %scan3A_266 : i32 to index
      %swap3A_295 = arith.constant 16 : index
      %swap3A_296 = tpu.vector_load %arg9[%swap3A_294, %swap3A_295] {strides = array<i32>} : memref<50x128xi32, #tpu.memory_space<vmem>>, vector<1x16xi32>,
      %swap3A_297 = vector.shape_cast %swap3A_296 : vector<1x16xi32> to vector<16xi32>
      %swap3A_298 = vector.shape_cast %add3A_293 : vector<16xi32> to vector<1x16xi32>
      tpu.vector_store %arg9[%swap3A_294, %swap3A_295], %swap3A_298 {strides = array<i32>} : memref<50x128xi32, #tpu.memory_space<vmem>>, vector<1x16xi32>,
      %add3A_299 = arith.constant 16 : i32
      %add3A_300 = vector.broadcast %add3A_299 : i32 to vector<16xi32>
      %add3A_301 = arith.addi %select_n3A, %add3A_300 : vector<16xi32>
      %ge3A_302 = arith.constant 200 : i32
      %ge3A_303 = vector.broadcast %ge3A_302 : i32 to vector<16xi32>
      %ge3A_304 = arith.cmpi sge, %add3A_301, %ge3A_303 : vector<16xi32>
      %sub3A_305 = arith.constant 200 : i32
      %sub3A_306 = vector.broadcast %sub3A_305 : i32 to vector<16xi32>
      %sub3A_307 = arith.subi %add3A_301, %sub3A_306 : vector<16xi32>
      %select_n3A_308 = arith.select %ge3A_304, %sub3A_307, %add3A_301 : vector<16xi1>, vector<16xi32>
      %get3A_309 = arith.index_cast %scan3A_266 : i32 to index
      %get3A_310 = arith.constant 32 : index
      %get3A_311 = tpu.vector_load %arg9[%get3A_309, %get3A_310] {strides = array<i32>} : memref<50x128xi32, #tpu.memory_space<vmem>>, vector<1x16xi32>,
      %get3A_312 = vector.shape_cast %get3A_311 : vector<1x16xi32> to vector<16xi32>
      %mul3A_313 = arith.constant 200 : i32
      %mul3A_314 = vector.broadcast %mul3A_313 : i32 to vector<16xi32>
      %mul3A_315 = arith.muli %get3A_312, %mul3A_314 : vector<16xi32>
      %add3A_316 = arith.addi %mul3A_315, %select_n3A_308 : vector<16xi32>
      %swap3A_317 = arith.index_cast %scan3A_266 : i32 to index
      %swap3A_318 = arith.constant 32 : index
      %swap3A_319 = tpu.vector_load %arg9[%swap3A_317, %swap3A_318] {strides = array<i32>} : memref<50x128xi32, #tpu.memory_space<vmem>>, vector<1x16xi32>,
      %swap3A_320 = vector.shape_cast %swap3A_319 : vector<1x16xi32> to vector<16xi32>
      %swap3A_321 = vector.shape_cast %add3A_316 : vector<16xi32> to vector<1x16xi32>
      tpu.vector_store %arg9[%swap3A_317, %swap3A_318], %swap3A_321 {strides = array<i32>} : memref<50x128xi32, #tpu.memory_space<vmem>>, vector<1x16xi32>,
      %add3A_322 = arith.constant 16 : i32
      %add3A_323 = vector.broadcast %add3A_322 : i32 to vector<16xi32>
      %add3A_324 = arith.addi %select_n3A_308, %add3A_323 : vector<16xi32>
      %ge3A_325 = arith.constant 200 : i32
      %ge3A_326 = vector.broadcast %ge3A_325 : i32 to vector<16xi32>
      %ge3A_327 = arith.cmpi sge, %add3A_324, %ge3A_326 : vector<16xi32>
      %sub3A_328 = arith.constant 200 : i32
      %sub3A_329 = vector.broadcast %sub3A_328 : i32 to vector<16xi32>
      %sub3A_330 = arith.subi %add3A_324, %sub3A_329 : vector<16xi32>
      %select_n3A_331 = arith.select %ge3A_327, %sub3A_330, %add3A_324 : vector<16xi1>, vector<16xi32>
      %get3A_332 = arith.index_cast %scan3A_266 : i32 to index
      %get3A_333 = arith.constant 48 : index
      %get3A_334 = tpu.vector_load %arg9[%get3A_332, %get3A_333] {strides = array<i32>} : memref<50x128xi32, #tpu.memory_space<vmem>>, vector<1x16xi32>,
      %get3A_335 = vector.shape_cast %get3A_334 : vector<1x16xi32> to vector<16xi32>
      %mul3A_336 = arith.constant 200 : i32
      %mul3A_337 = vector.broadcast %mul3A_336 : i32 to vector<16xi32>
      %mul3A_338 = arith.muli %get3A_335, %mul3A_337 : vector<16xi32>
      %add3A_339 = arith.addi %mul3A_338, %select_n3A_331 : vector<16xi32>
      %swap3A_340 = arith.index_cast %scan3A_266 : i32 to index
      %swap3A_341 = arith.constant 48 : index
      %swap3A_342 = tpu.vector_load %arg9[%swap3A_340, %swap3A_341] {strides = array<i32>} : memref<50x128xi32, #tpu.memory_space<vmem>>, vector<1x16xi32>,
      %swap3A_343 = vector.shape_cast %swap3A_342 : vector<1x16xi32> to vector<16xi32>
      %swap3A_344 = vector.shape_cast %add3A_339 : vector<16xi32> to vector<1x16xi32>
      tpu.vector_store %arg9[%swap3A_340, %swap3A_341], %swap3A_344 {strides = array<i32>} : memref<50x128xi32, #tpu.memory_space<vmem>>, vector<1x16xi32>,
      %add3A_345 = arith.constant 16 : i32
      %add3A_346 = vector.broadcast %add3A_345 : i32 to vector<16xi32>
      %add3A_347 = arith.addi %select_n3A_331, %add3A_346 : vector<16xi32>
      %ge3A_348 = arith.constant 200 : i32
      %ge3A_349 = vector.broadcast %ge3A_348 : i32 to vector<16xi32>
      %ge3A_350 = arith.cmpi sge, %add3A_347, %ge3A_349 : vector<16xi32>
      %sub3A_351 = arith.constant 200 : i32
      %sub3A_352 = vector.broadcast %sub3A_351 : i32 to vector<16xi32>
      %sub3A_353 = arith.subi %add3A_347, %sub3A_352 : vector<16xi32>
      %select_n3A_354 = arith.select %ge3A_350, %sub3A_353, %add3A_347 : vector<16xi1>, vector<16xi32>
      %get3A_355 = arith.index_cast %scan3A_266 : i32 to index
      %get3A_356 = arith.constant 64 : index
      %get3A_357 = tpu.vector_load %arg9[%get3A_355, %get3A_356] {strides = array<i32>} : memref<50x128xi32, #tpu.memory_space<vmem>>, vector<1x16xi32>,
      %get3A_358 = vector.shape_cast %get3A_357 : vector<1x16xi32> to vector<16xi32>
      %mul3A_359 = arith.constant 200 : i32
      %mul3A_360 = vector.broadcast %mul3A_359 : i32 to vector<16xi32>
      %mul3A_361 = arith.muli %get3A_358, %mul3A_360 : vector<16xi32>
      %add3A_362 = arith.addi %mul3A_361, %select_n3A_354 : vector<16xi32>
      %swap3A_363 = arith.index_cast %scan3A_266 : i32 to index
      %swap3A_364 = arith.constant 64 : index
      %swap3A_365 = tpu.vector_load %arg9[%swap3A_363, %swap3A_364] {strides = array<i32>} : memref<50x128xi32, #tpu.memory_space<vmem>>, vector<1x16xi32>,
      %swap3A_366 = vector.shape_cast %swap3A_365 : vector<1x16xi32> to vector<16xi32>
      %swap3A_367 = vector.shape_cast %add3A_362 : vector<16xi32> to vector<1x16xi32>
      tpu.vector_store %arg9[%swap3A_363, %swap3A_364], %swap3A_367 {strides = array<i32>} : memref<50x128xi32, #tpu.memory_space<vmem>>, vector<1x16xi32>,
      %add3A_368 = arith.constant 16 : i32
      %add3A_369 = vector.broadcast %add3A_368 : i32 to vector<16xi32>
      %add3A_370 = arith.addi %select_n3A_354, %add3A_369 : vector<16xi32>
      %ge3A_371 = arith.constant 200 : i32
      %ge3A_372 = vector.broadcast %ge3A_371 : i32 to vector<16xi32>
      %ge3A_373 = arith.cmpi sge, %add3A_370, %ge3A_372 : vector<16xi32>
      %sub3A_374 = arith.constant 200 : i32
      %sub3A_375 = vector.broadcast %sub3A_374 : i32 to vector<16xi32>
      %sub3A_376 = arith.subi %add3A_370, %sub3A_375 : vector<16xi32>
      %select_n3A_377 = arith.select %ge3A_373, %sub3A_376, %add3A_370 : vector<16xi1>, vector<16xi32>
      %get3A_378 = arith.index_cast %scan3A_266 : i32 to index
      %get3A_379 = arith.constant 80 : index
      %get3A_380 = tpu.vector_load %arg9[%get3A_378, %get3A_379] {strides = array<i32>} : memref<50x128xi32, #tpu.memory_space<vmem>>, vector<1x16xi32>,
      %get3A_381 = vector.shape_cast %get3A_380 : vector<1x16xi32> to vector<16xi32>
      %mul3A_382 = arith.constant 200 : i32
      %mul3A_383 = vector.broadcast %mul3A_382 : i32 to vector<16xi32>
      %mul3A_384 = arith.muli %get3A_381, %mul3A_383 : vector<16xi32>
      %add3A_385 = arith.addi %mul3A_384, %select_n3A_377 : vector<16xi32>
      %swap3A_386 = arith.index_cast %scan3A_266 : i32 to index
      %swap3A_387 = arith.constant 80 : index
      %swap3A_388 = tpu.vector_load %arg9[%swap3A_386, %swap3A_387] {strides = array<i32>} : memref<50x128xi32, #tpu.memory_space<vmem>>, vector<1x16xi32>,
      %swap3A_389 = vector.shape_cast %swap3A_388 : vector<1x16xi32> to vector<16xi32>
      %swap3A_390 = vector.shape_cast %add3A_385 : vector<16xi32> to vector<1x16xi32>
      tpu.vector_store %arg9[%swap3A_386, %swap3A_387], %swap3A_390 {strides = array<i32>} : memref<50x128xi32, #tpu.memory_space<vmem>>, vector<1x16xi32>,
      %add3A_391 = arith.constant 16 : i32
      %add3A_392 = vector.broadcast %add3A_391 : i32 to vector<16xi32>
      %add3A_393 = arith.addi %select_n3A_377, %add3A_392 : vector<16xi32>
      %ge3A_394 = arith.constant 200 : i32
      %ge3A_395 = vector.broadcast %ge3A_394 : i32 to vector<16xi32>
      %ge3A_396 = arith.cmpi sge, %add3A_393, %ge3A_395 : vector<16xi32>
      %sub3A_397 = arith.constant 200 : i32
      %sub3A_398 = vector.broadcast %sub3A_397 : i32 to vector<16xi32>
      %sub3A_399 = arith.subi %add3A_393, %sub3A_398 : vector<16xi32>
      %select_n3A_400 = arith.select %ge3A_396, %sub3A_399, %add3A_393 : vector<16xi1>, vector<16xi32>
      %get3A_401 = arith.index_cast %scan3A_266 : i32 to index
      %get3A_402 = arith.constant 96 : index
      %get3A_403 = tpu.vector_load %arg9[%get3A_401, %get3A_402] {strides = array<i32>} : memref<50x128xi32, #tpu.memory_space<vmem>>, vector<1x16xi32>,
      %get3A_404 = vector.shape_cast %get3A_403 : vector<1x16xi32> to vector<16xi32>
      %mul3A_405 = arith.constant 200 : i32
      %mul3A_406 = vector.broadcast %mul3A_405 : i32 to vector<16xi32>
      %mul3A_407 = arith.muli %get3A_404, %mul3A_406 : vector<16xi32>
      %add3A_408 = arith.addi %mul3A_407, %select_n3A_400 : vector<16xi32>
      %swap3A_409 = arith.index_cast %scan3A_266 : i32 to index
      %swap3A_410 = arith.constant 96 : index
      %swap3A_411 = tpu.vector_load %arg9[%swap3A_409, %swap3A_410] {strides = array<i32>} : memref<50x128xi32, #tpu.memory_space<vmem>>, vector<1x16xi32>,
      %swap3A_412 = vector.shape_cast %swap3A_411 : vector<1x16xi32> to vector<16xi32>
      %swap3A_413 = vector.shape_cast %add3A_408 : vector<16xi32> to vector<1x16xi32>
      tpu.vector_store %arg9[%swap3A_409, %swap3A_410], %swap3A_413 {strides = array<i32>} : memref<50x128xi32, #tpu.memory_space<vmem>>, vector<1x16xi32>,
      %add3A_414 = arith.constant 16 : i32
      %add3A_415 = vector.broadcast %add3A_414 : i32 to vector<16xi32>
      %add3A_416 = arith.addi %select_n3A_400, %add3A_415 : vector<16xi32>
      %ge3A_417 = arith.constant 200 : i32
      %ge3A_418 = vector.broadcast %ge3A_417 : i32 to vector<16xi32>
      %ge3A_419 = arith.cmpi sge, %add3A_416, %ge3A_418 : vector<16xi32>
      %sub3A_420 = arith.constant 200 : i32
      %sub3A_421 = vector.broadcast %sub3A_420 : i32 to vector<16xi32>
      %sub3A_422 = arith.subi %add3A_416, %sub3A_421 : vector<16xi32>
      %select_n3A_423 = arith.select %ge3A_419, %sub3A_422, %add3A_416 : vector<16xi1>, vector<16xi32>
      %get3A_424 = arith.index_cast %scan3A_266 : i32 to index
      %get3A_425 = arith.constant 112 : index
      %get3A_426 = tpu.vector_load %arg9[%get3A_424, %get3A_425] {strides = array<i32>} : memref<50x128xi32, #tpu.memory_space<vmem>>, vector<1x16xi32>,
      %get3A_427 = vector.shape_cast %get3A_426 : vector<1x16xi32> to vector<16xi32>
      %mul3A_428 = arith.constant 200 : i32
      %mul3A_429 = vector.broadcast %mul3A_428 : i32 to vector<16xi32>
      %mul3A_430 = arith.muli %get3A_427, %mul3A_429 : vector<16xi32>
      %add3A_431 = arith.addi %mul3A_430, %select_n3A_423 : vector<16xi32>
      %swap3A_432 = arith.index_cast %scan3A_266 : i32 to index
      %swap3A_433 = arith.constant 112 : index
      %swap3A_434 = tpu.vector_load %arg9[%swap3A_432, %swap3A_433] {strides = array<i32>} : memref<50x128xi32, #tpu.memory_space<vmem>>, vector<1x16xi32>,
      %swap3A_435 = vector.shape_cast %swap3A_434 : vector<1x16xi32> to vector<16xi32>
      %swap3A_436 = vector.shape_cast %add3A_431 : vector<16xi32> to vector<1x16xi32>
      tpu.vector_store %arg9[%swap3A_432, %swap3A_433], %swap3A_436 {strides = array<i32>} : memref<50x128xi32, #tpu.memory_space<vmem>>, vector<1x16xi32>,
      %add3A_437 = arith.constant 16 : i32
      %add3A_438 = vector.broadcast %add3A_437 : i32 to vector<16xi32>
      %add3A_439 = arith.addi %select_n3A_423, %add3A_438 : vector<16xi32>
      %ge3A_440 = arith.constant 200 : i32
      %ge3A_441 = vector.broadcast %ge3A_440 : i32 to vector<16xi32>
      %ge3A_442 = arith.cmpi sge, %add3A_439, %ge3A_441 : vector<16xi32>
      %sub3A_443 = arith.constant 200 : i32
      %sub3A_444 = vector.broadcast %sub3A_443 : i32 to vector<16xi32>
      %sub3A_445 = arith.subi %add3A_439, %sub3A_444 : vector<16xi32>
      %select_n3A_446 = arith.select %ge3A_442, %sub3A_445, %add3A_439 : vector<16xi1>, vector<16xi32>
      scf.yield %select_n3A_446 : vector<16xi32>
    }
    %scan3A_22 = arith.constant 50 : i32
    %barrier3A = arith.constant 0 : index
    tpu.barrier barrier_id(%barrier3A)
    %dma_wait3A = arith.constant 0 : i32
    %dma_wait3A_23 = arith.constant 0 : i32
    %dma_wait3A_24 = tpu.memref_slice %arg8[%dma_wait3A, %dma_wait3A_23] : memref<50x128xi32, #tpu.memory_space<vmem>> -> memref<1x128xi32, #tpu.memory_space<vmem>>
    %dma_wait3A_25 = tpu.memref_squeeze %dma_wait3A_24 : memref<1x128xi32, #tpu.memory_space<vmem>> -> memref<128xi32, #tpu.memory_space<vmem>>
    %dma_wait3A_26 = arith.constant 0 : i32
    %dma_wait3A_27 = arith.constant 0 : i32
    %dma_wait3A_28 = tpu.memref_slice %arg4[%dma_wait3A_26, %dma_wait3A_27] : memref<100000x128xf32, #tpu.memory_space<hbm>> -> memref<100000x128xf32, #tpu.memory_space<hbm>>
    tpu.wait_indirect_dma semaphore(%arg16 : memref<!tpu.dma_semaphore, #tpu.memory_space<semaphore_mem>>) src(%dma_wait3A_28 : memref<100000x128xf32, #tpu.memory_space<hbm>>) dst(%arg10 : memref<128x128xf32, #tpu.memory_space<vmem>>)
    %dma_start3A_29 = arith.constant 0 : i32
    %dma_start3A_30 = arith.constant 0 : i32
    %dma_start3A_31 = tpu.memref_slice %arg9[%dma_start3A_29, %dma_start3A_30] : memref<50x128xi32, #tpu.memory_space<vmem>> -> memref<1x128xi32, #tpu.memory_space<vmem>>
    %dma_start3A_32 = tpu.memref_squeeze %dma_start3A_31 : memref<1x128xi32, #tpu.memory_space<vmem>> -> memref<128xi32, #tpu.memory_space<vmem>>
    %dma_start3A_33 = arith.constant 0 : i32
    %dma_start3A_34 = arith.constant 0 : i32
    %dma_start3A_35 = tpu.memref_slice %arg15[%dma_start3A_33, %dma_start3A_34] : memref<400x128xf32, #tpu.memory_space<vmem_shared>> -> memref<400x128xf32, #tpu.memory_space<vmem_shared>>
    tpu.enqueue_indirect_dma source(%dma_start3A_35 : memref<400x128xf32, #tpu.memory_space<vmem_shared>>) target(%arg10 : memref<128x128xf32, #tpu.memory_space<vmem>>) offsets(%dma_start3A_32 : memref<128xi32, #tpu.memory_space<vmem>>) semaphore(%arg20 : memref<!tpu.dma_semaphore, #tpu.memory_space<semaphore_mem>>) {add = true}
    %dma_start3A_36 = arith.constant 2 : i32
    %dma_start3A_37 = arith.constant 0 : i32
    %dma_start3A_38 = tpu.memref_slice %arg8[%dma_start3A_36, %dma_start3A_37] : memref<50x128xi32, #tpu.memory_space<vmem>> -> memref<1x128xi32, #tpu.memory_space<vmem>>
    %dma_start3A_39 = tpu.memref_squeeze %dma_start3A_38 : memref<1x128xi32, #tpu.memory_space<vmem>> -> memref<128xi32, #tpu.memory_space<vmem>>
    %dma_start3A_40 = arith.constant 0 : i32
    %dma_start3A_41 = arith.constant 0 : i32
    %dma_start3A_42 = tpu.memref_slice %arg4[%dma_start3A_40, %dma_start3A_41] : memref<100000x128xf32, #tpu.memory_space<hbm>> -> memref<100000x128xf32, #tpu.memory_space<hbm>>
    tpu.enqueue_indirect_dma source(%dma_start3A_42 : memref<100000x128xf32, #tpu.memory_space<hbm>>) target(%arg12 : memref<128x128xf32, #tpu.memory_space<vmem>>) offsets(%dma_start3A_39 : memref<128xi32, #tpu.memory_space<vmem>>) semaphore(%arg18 : memref<!tpu.dma_semaphore, #tpu.memory_space<semaphore_mem>>)
    %dma_wait3A_43 = arith.constant 1 : i32
    %dma_wait3A_44 = arith.constant 0 : i32
    %dma_wait3A_45 = tpu.memref_slice %arg8[%dma_wait3A_43, %dma_wait3A_44] : memref<50x128xi32, #tpu.memory_space<vmem>> -> memref<1x128xi32, #tpu.memory_space<vmem>>
    %dma_wait3A_46 = tpu.memref_squeeze %dma_wait3A_45 : memref<1x128xi32, #tpu.memory_space<vmem>> -> memref<128xi32, #tpu.memory_space<vmem>>
    %dma_wait3A_47 = arith.constant 0 : i32
    %dma_wait3A_48 = arith.constant 0 : i32
    %dma_wait3A_49 = tpu.memref_slice %arg4[%dma_wait3A_47, %dma_wait3A_48] : memref<100000x128xf32, #tpu.memory_space<hbm>> -> memref<100000x128xf32, #tpu.memory_space<hbm>>
    tpu.wait_indirect_dma semaphore(%arg17 : memref<!tpu.dma_semaphore, #tpu.memory_space<semaphore_mem>>) src(%dma_wait3A_49 : memref<100000x128xf32, #tpu.memory_space<hbm>>) dst(%arg11 : memref<128x128xf32, #tpu.memory_space<vmem>>)
    %dma_start3A_50 = arith.constant 1 : i32
    %dma_start3A_51 = arith.constant 0 : i32
    %dma_start3A_52 = tpu.memref_slice %arg9[%dma_start3A_50, %dma_start3A_51] : memref<50x128xi32, #tpu.memory_space<vmem>> -> memref<1x128xi32, #tpu.memory_space<vmem>>
    %dma_start3A_53 = tpu.memref_squeeze %dma_start3A_52 : memref<1x128xi32, #tpu.memory_space<vmem>> -> memref<128xi32, #tpu.memory_space<vmem>>
    %dma_start3A_54 = arith.constant 0 : i32
    %dma_start3A_55 = arith.constant 0 : i32
    %dma_start3A_56 = tpu.memref_slice %arg15[%dma_start3A_54, %dma_start3A_55] : memref<400x128xf32, #tpu.memory_space<vmem_shared>> -> memref<400x128xf32, #tpu.memory_space<vmem_shared>>
    tpu.enqueue_indirect_dma source(%dma_start3A_56 : memref<400x128xf32, #tpu.memory_space<vmem_shared>>) target(%arg11 : memref<128x128xf32, #tpu.memory_space<vmem>>) offsets(%dma_start3A_53 : memref<128xi32, #tpu.memory_space<vmem>>) semaphore(%arg21 : memref<!tpu.dma_semaphore, #tpu.memory_space<semaphore_mem>>) {add = true}
    %dma_wait3A_57 = arith.constant 0 : i32
    %dma_wait3A_58 = arith.constant 0 : i32
    %dma_wait3A_59 = tpu.memref_slice %arg9[%dma_wait3A_57, %dma_wait3A_58] : memref<50x128xi32, #tpu.memory_space<vmem>> -> memref<1x128xi32, #tpu.memory_space<vmem>>
    %dma_wait3A_60 = tpu.memref_squeeze %dma_wait3A_59 : memref<1x128xi32, #tpu.memory_space<vmem>> -> memref<128xi32, #tpu.memory_space<vmem>>
    %dma_wait3A_61 = arith.constant 0 : i32
    %dma_wait3A_62 = arith.constant 0 : i32
    %dma_wait3A_63 = tpu.memref_slice %arg15[%dma_wait3A_61, %dma_wait3A_62] : memref<400x128xf32, #tpu.memory_space<vmem_shared>> -> memref<400x128xf32, #tpu.memory_space<vmem_shared>>
    tpu.wait_indirect_dma semaphore(%arg20 : memref<!tpu.dma_semaphore, #tpu.memory_space<semaphore_mem>>) src(%dma_wait3A_63 : memref<400x128xf32, #tpu.memory_space<vmem_shared>>) dst(%arg10 : memref<128x128xf32, #tpu.memory_space<vmem>>)
    %add3A_64 = arith.constant 0 : i32
    %add3A_65 = arith.addi %multiple_of3A, %add3A_64 : i32
    %multiple_of3A_66 = tpu.assume_multiple %add3A_65, 128 : i32
    %dma_start3A_67 = arith.constant 0 : i32
    %dma_start3A_68 = tpu.memref_slice %arg7[%multiple_of3A_66, %dma_start3A_67] : memref<204800x128xf32, #tpu.memory_space<hbm>> -> memref<128x128xf32, #tpu.memory_space<hbm>>
    %dma_start3A_69 = arith.constant 0 : i32
    %dma_start3A_70 = tpu.memref_slice %arg7[%multiple_of3A_66, %dma_start3A_69] : memref<204800x128xf32, #tpu.memory_space<hbm>> -> memref<128x128xf32, #tpu.memory_space<hbm>>
    tpu.enqueue_dma source(%arg10 : memref<128x128xf32, #tpu.memory_space<vmem>>) target(%dma_start3A_70 : memref<128x128xf32, #tpu.memory_space<hbm>>) target_semaphore(%arg24 : memref<!tpu.dma_semaphore, #tpu.memory_space<semaphore_mem>>)
    %dma_start3A_71 = arith.constant 3 : i32
    %dma_start3A_72 = arith.constant 0 : i32
    %dma_start3A_73 = tpu.memref_slice %arg8[%dma_start3A_71, %dma_start3A_72] : memref<50x128xi32, #tpu.memory_space<vmem>> -> memref<1x128xi32, #tpu.memory_space<vmem>>
    %dma_start3A_74 = tpu.memref_squeeze %dma_start3A_73 : memref<1x128xi32, #tpu.memory_space<vmem>> -> memref<128xi32, #tpu.memory_space<vmem>>
    %dma_start3A_75 = arith.constant 0 : i32
    %dma_start3A_76 = arith.constant 0 : i32
    %dma_start3A_77 = tpu.memref_slice %arg4[%dma_start3A_75, %dma_start3A_76] : memref<100000x128xf32, #tpu.memory_space<hbm>> -> memref<100000x128xf32, #tpu.memory_space<hbm>>
    tpu.enqueue_indirect_dma source(%dma_start3A_77 : memref<100000x128xf32, #tpu.memory_space<hbm>>) target(%arg13 : memref<128x128xf32, #tpu.memory_space<vmem>>) offsets(%dma_start3A_74 : memref<128xi32, #tpu.memory_space<vmem>>) semaphore(%arg19 : memref<!tpu.dma_semaphore, #tpu.memory_space<semaphore_mem>>)
    %scan3A_78 = arith.constant 0 : i32
    %scan3A_79 = arith.constant 0 : i32
    %scan3A_80 = arith.constant 11 : i32
    %scan3A_81 = arith.addi %scan3A_79, %scan3A_80 : i32
    %scan3A_82 = arith.constant 1 : i32
    scf.for %scan3A_266 = %scan3A_79 to %scan3A_81 step %scan3A_82  : i32 {
      %mul3A_267 = arith.constant 4 : i32
      %mul3A_268 = arith.muli %scan3A_266, %mul3A_267 : i32
      %add3A_269 = arith.constant 2 : i32
      %add3A_270 = arith.addi %add3A_269, %mul3A_268 : i32
      %add3A_271 = arith.constant 0 : i32
      %add3A_272 = arith.addi %add3A_270, %add3A_271 : i32
      %dma_wait3A_273 = arith.constant 0 : i32
      %dma_wait3A_274 = tpu.memref_slice %arg8[%add3A_272, %dma_wait3A_273] : memref<50x128xi32, #tpu.memory_space<vmem>> -> memref<1x128xi32, #tpu.memory_space<vmem>>
      %dma_wait3A_275 = tpu.memref_squeeze %dma_wait3A_274 : memref<1x128xi32, #tpu.memory_space<vmem>> -> memref<128xi32, #tpu.memory_space<vmem>>
      %dma_wait3A_276 = arith.constant 0 : i32
      %dma_wait3A_277 = arith.constant 0 : i32
      %dma_wait3A_278 = tpu.memref_slice %arg4[%dma_wait3A_276, %dma_wait3A_277] : memref<100000x128xf32, #tpu.memory_space<hbm>> -> memref<100000x128xf32, #tpu.memory_space<hbm>>
      tpu.wait_indirect_dma semaphore(%arg18 : memref<!tpu.dma_semaphore, #tpu.memory_space<semaphore_mem>>) src(%dma_wait3A_278 : memref<100000x128xf32, #tpu.memory_space<hbm>>) dst(%arg12 : memref<128x128xf32, #tpu.memory_space<vmem>>)
      %dma_start3A_279 = arith.constant 0 : i32
      %dma_start3A_280 = tpu.memref_slice %arg9[%add3A_272, %dma_start3A_279] : memref<50x128xi32, #tpu.memory_space<vmem>> -> memref<1x128xi32, #tpu.memory_space<vmem>>
      %dma_start3A_281 = tpu.memref_squeeze %dma_start3A_280 : memref<1x128xi32, #tpu.memory_space<vmem>> -> memref<128xi32, #tpu.memory_space<vmem>>
      %dma_start3A_282 = arith.constant 0 : i32
      %dma_start3A_283 = arith.constant 0 : i32
      %dma_start3A_284 = tpu.memref_slice %arg15[%dma_start3A_282, %dma_start3A_283] : memref<400x128xf32, #tpu.memory_space<vmem_shared>> -> memref<400x128xf32, #tpu.memory_space<vmem_shared>>
      tpu.enqueue_indirect_dma source(%dma_start3A_284 : memref<400x128xf32, #tpu.memory_space<vmem_shared>>) target(%arg12 : memref<128x128xf32, #tpu.memory_space<vmem>>) offsets(%dma_start3A_281 : memref<128xi32, #tpu.memory_space<vmem>>) semaphore(%arg22 : memref<!tpu.dma_semaphore, #tpu.memory_space<semaphore_mem>>) {add = true}
      %sub3A = arith.constant 1 : i32
      %sub3A_285 = arith.subi %add3A_272, %sub3A : i32
      %dma_wait3A_286 = arith.constant 0 : i32
      %dma_wait3A_287 = tpu.memref_slice %arg9[%sub3A_285, %dma_wait3A_286] : memref<50x128xi32, #tpu.memory_space<vmem>> -> memref<1x128xi32, #tpu.memory_space<vmem>>
      %dma_wait3A_288 = tpu.memref_squeeze %dma_wait3A_287 : memref<1x128xi32, #tpu.memory_space<vmem>> -> memref<128xi32, #tpu.memory_space<vmem>>
      %dma_wait3A_289 = arith.constant 0 : i32
      %dma_wait3A_290 = arith.constant 0 : i32
      %dma_wait3A_291 = tpu.memref_slice %arg15[%dma_wait3A_289, %dma_wait3A_290] : memref<400x128xf32, #tpu.memory_space<vmem_shared>> -> memref<400x128xf32, #tpu.memory_space<vmem_shared>>
      tpu.wait_indirect_dma semaphore(%arg21 : memref<!tpu.dma_semaphore, #tpu.memory_space<semaphore_mem>>) src(%dma_wait3A_291 : memref<400x128xf32, #tpu.memory_space<vmem_shared>>) dst(%arg11 : memref<128x128xf32, #tpu.memory_space<vmem>>)
      %sub3A_292 = arith.constant 1 : i32
      %sub3A_293 = arith.subi %add3A_272, %sub3A_292 : i32
      %mul3A_294 = arith.constant 128 : i32
      %mul3A_295 = arith.muli %sub3A_293, %mul3A_294 : i32
      %add3A_296 = arith.addi %multiple_of3A, %mul3A_295 : i32
      %multiple_of3A_297 = tpu.assume_multiple %add3A_296, 128 : i32
      %dma_start3A_298 = arith.constant 0 : i32
      %dma_start3A_299 = tpu.memref_slice %arg7[%multiple_of3A_297, %dma_start3A_298] : memref<204800x128xf32, #tpu.memory_space<hbm>> -> memref<128x128xf32, #tpu.memory_space<hbm>>
      %dma_start3A_300 = arith.constant 0 : i32
      %dma_start3A_301 = tpu.memref_slice %arg7[%multiple_of3A_297, %dma_start3A_300] : memref<204800x128xf32, #tpu.memory_space<hbm>> -> memref<128x128xf32, #tpu.memory_space<hbm>>
      tpu.enqueue_dma source(%arg11 : memref<128x128xf32, #tpu.memory_space<vmem>>) target(%dma_start3A_301 : memref<128x128xf32, #tpu.memory_space<hbm>>) target_semaphore(%arg25 : memref<!tpu.dma_semaphore, #tpu.memory_space<semaphore_mem>>)
      %sub3A_302 = arith.constant 2 : i32
      %sub3A_303 = arith.subi %add3A_272, %sub3A_302 : i32
      %mul3A_304 = arith.constant 128 : i32
      %mul3A_305 = arith.muli %sub3A_303, %mul3A_304 : i32
      %add3A_306 = arith.addi %multiple_of3A, %mul3A_305 : i32
      %multiple_of3A_307 = tpu.assume_multiple %add3A_306, 128 : i32
      %dma_wait3A_308 = arith.constant 0 : i32
      %dma_wait3A_309 = tpu.memref_slice %arg7[%multiple_of3A_307, %dma_wait3A_308] : memref<204800x128xf32, #tpu.memory_space<hbm>> -> memref<128x128xf32, #tpu.memory_space<hbm>>
      %dma_wait3A_310 = arith.constant 0 : i32
      %dma_wait3A_311 = tpu.memref_slice %arg7[%multiple_of3A_307, %dma_wait3A_310] : memref<204800x128xf32, #tpu.memory_space<hbm>> -> memref<128x128xf32, #tpu.memory_space<hbm>>
      tpu.wait_dma2 semaphore(%arg24 : memref<!tpu.dma_semaphore, #tpu.memory_space<semaphore_mem>>) src(%arg10 : memref<128x128xf32, #tpu.memory_space<vmem>>) dst(%dma_wait3A_311 : memref<128x128xf32, #tpu.memory_space<hbm>>)
      %add3A_312 = arith.constant 2 : i32
      %add3A_313 = arith.addi %add3A_272, %add3A_312 : i32
      %dma_start3A_314 = arith.constant 0 : i32
      %dma_start3A_315 = tpu.memref_slice %arg8[%add3A_313, %dma_start3A_314] : memref<50x128xi32, #tpu.memory_space<vmem>> -> memref<1x128xi32, #tpu.memory_space<vmem>>
      %dma_start3A_316 = tpu.memref_squeeze %dma_start3A_315 : memref<1x128xi32, #tpu.memory_space<vmem>> -> memref<128xi32, #tpu.memory_space<vmem>>
      %dma_start3A_317 = arith.constant 0 : i32
      %dma_start3A_318 = arith.constant 0 : i32
      %dma_start3A_319 = tpu.memref_slice %arg4[%dma_start3A_317, %dma_start3A_318] : memref<100000x128xf32, #tpu.memory_space<hbm>> -> memref<100000x128xf32, #tpu.memory_space<hbm>>
      tpu.enqueue_indirect_dma source(%dma_start3A_319 : memref<100000x128xf32, #tpu.memory_space<hbm>>) target(%arg10 : memref<128x128xf32, #tpu.memory_space<vmem>>) offsets(%dma_start3A_316 : memref<128xi32, #tpu.memory_space<vmem>>) semaphore(%arg16 : memref<!tpu.dma_semaphore, #tpu.memory_space<semaphore_mem>>)
      %add3A_320 = arith.constant 1 : i32
      %add3A_321 = arith.addi %add3A_270, %add3A_320 : i32
      %dma_wait3A_322 = arith.constant 0 : i32
      %dma_wait3A_323 = tpu.memref_slice %arg8[%add3A_321, %dma_wait3A_322] : memref<50x128xi32, #tpu.memory_space<vmem>> -> memref<1x128xi32, #tpu.memory_space<vmem>>
      %dma_wait3A_324 = tpu.memref_squeeze %dma_wait3A_323 : memref<1x128xi32, #tpu.memory_space<vmem>> -> memref<128xi32, #tpu.memory_space<vmem>>
      %dma_wait3A_325 = arith.constant 0 : i32
      %dma_wait3A_326 = arith.constant 0 : i32
      %dma_wait3A_327 = tpu.memref_slice %arg4[%dma_wait3A_325, %dma_wait3A_326] : memref<100000x128xf32, #tpu.memory_space<hbm>> -> memref<100000x128xf32, #tpu.memory_space<hbm>>
      tpu.wait_indirect_dma semaphore(%arg19 : memref<!tpu.dma_semaphore, #tpu.memory_space<semaphore_mem>>) src(%dma_wait3A_327 : memref<100000x128xf32, #tpu.memory_space<hbm>>) dst(%arg13 : memref<128x128xf32, #tpu.memory_space<vmem>>)
      %dma_start3A_328 = arith.constant 0 : i32
      %dma_start3A_329 = tpu.memref_slice %arg9[%add3A_321, %dma_start3A_328] : memref<50x128xi32, #tpu.memory_space<vmem>> -> memref<1x128xi32, #tpu.memory_space<vmem>>
      %dma_start3A_330 = tpu.memref_squeeze %dma_start3A_329 : memref<1x128xi32, #tpu.memory_space<vmem>> -> memref<128xi32, #tpu.memory_space<vmem>>
      %dma_start3A_331 = arith.constant 0 : i32
      %dma_start3A_332 = arith.constant 0 : i32
      %dma_start3A_333 = tpu.memref_slice %arg15[%dma_start3A_331, %dma_start3A_332] : memref<400x128xf32, #tpu.memory_space<vmem_shared>> -> memref<400x128xf32, #tpu.memory_space<vmem_shared>>
      tpu.enqueue_indirect_dma source(%dma_start3A_333 : memref<400x128xf32, #tpu.memory_space<vmem_shared>>) target(%arg13 : memref<128x128xf32, #tpu.memory_space<vmem>>) offsets(%dma_start3A_330 : memref<128xi32, #tpu.memory_space<vmem>>) semaphore(%arg23 : memref<!tpu.dma_semaphore, #tpu.memory_space<semaphore_mem>>) {add = true}
      %sub3A_334 = arith.constant 1 : i32
      %sub3A_335 = arith.subi %add3A_321, %sub3A_334 : i32
      %dma_wait3A_336 = arith.constant 0 : i32
      %dma_wait3A_337 = tpu.memref_slice %arg9[%sub3A_335, %dma_wait3A_336] : memref<50x128xi32, #tpu.memory_space<vmem>> -> memref<1x128xi32, #tpu.memory_space<vmem>>
      %dma_wait3A_338 = tpu.memref_squeeze %dma_wait3A_337 : memref<1x128xi32, #tpu.memory_space<vmem>> -> memref<128xi32, #tpu.memory_space<vmem>>
      %dma_wait3A_339 = arith.constant 0 : i32
      %dma_wait3A_340 = arith.constant 0 : i32
      %dma_wait3A_341 = tpu.memref_slice %arg15[%dma_wait3A_339, %dma_wait3A_340] : memref<400x128xf32, #tpu.memory_space<vmem_shared>> -> memref<400x128xf32, #tpu.memory_space<vmem_shared>>
      tpu.wait_indirect_dma semaphore(%arg22 : memref<!tpu.dma_semaphore, #tpu.memory_space<semaphore_mem>>) src(%dma_wait3A_341 : memref<400x128xf32, #tpu.memory_space<vmem_shared>>) dst(%arg12 : memref<128x128xf32, #tpu.memory_space<vmem>>)
      %sub3A_342 = arith.constant 1 : i32
      %sub3A_343 = arith.subi %add3A_321, %sub3A_342 : i32
      %mul3A_344 = arith.constant 128 : i32
      %mul3A_345 = arith.muli %sub3A_343, %mul3A_344 : i32
      %add3A_346 = arith.addi %multiple_of3A, %mul3A_345 : i32
      %multiple_of3A_347 = tpu.assume_multiple %add3A_346, 128 : i32
      %dma_start3A_348 = arith.constant 0 : i32
      %dma_start3A_349 = tpu.memref_slice %arg7[%multiple_of3A_347, %dma_start3A_348] : memref<204800x128xf32, #tpu.memory_space<hbm>> -> memref<128x128xf32, #tpu.memory_space<hbm>>
      %dma_start3A_350 = arith.constant 0 : i32
      %dma_start3A_351 = tpu.memref_slice %arg7[%multiple_of3A_347, %dma_start3A_350] : memref<204800x128xf32, #tpu.memory_space<hbm>> -> memref<128x128xf32, #tpu.memory_space<hbm>>
      tpu.enqueue_dma source(%arg12 : memref<128x128xf32, #tpu.memory_space<vmem>>) target(%dma_start3A_351 : memref<128x128xf32, #tpu.memory_space<hbm>>) target_semaphore(%arg26 : memref<!tpu.dma_semaphore, #tpu.memory_space<semaphore_mem>>)
      %sub3A_352 = arith.constant 2 : i32
      %sub3A_353 = arith.subi %add3A_321, %sub3A_352 : i32
      %mul3A_354 = arith.constant 128 : i32
      %mul3A_355 = arith.muli %sub3A_353, %mul3A_354 : i32
      %add3A_356 = arith.addi %multiple_of3A, %mul3A_355 : i32
      %multiple_of3A_357 = tpu.assume_multiple %add3A_356, 128 : i32
      %dma_wait3A_358 = arith.constant 0 : i32
      %dma_wait3A_359 = tpu.memref_slice %arg7[%multiple_of3A_357, %dma_wait3A_358] : memref<204800x128xf32, #tpu.memory_space<hbm>> -> memref<128x128xf32, #tpu.memory_space<hbm>>
      %dma_wait3A_360 = arith.constant 0 : i32
      %dma_wait3A_361 = tpu.memref_slice %arg7[%multiple_of3A_357, %dma_wait3A_360] : memref<204800x128xf32, #tpu.memory_space<hbm>> -> memref<128x128xf32, #tpu.memory_space<hbm>>
      tpu.wait_dma2 semaphore(%arg25 : memref<!tpu.dma_semaphore, #tpu.memory_space<semaphore_mem>>) src(%arg11 : memref<128x128xf32, #tpu.memory_space<vmem>>) dst(%dma_wait3A_361 : memref<128x128xf32, #tpu.memory_space<hbm>>)
      %add3A_362 = arith.constant 2 : i32
      %add3A_363 = arith.addi %add3A_321, %add3A_362 : i32
      %dma_start3A_364 = arith.constant 0 : i32
      %dma_start3A_365 = tpu.memref_slice %arg8[%add3A_363, %dma_start3A_364] : memref<50x128xi32, #tpu.memory_space<vmem>> -> memref<1x128xi32, #tpu.memory_space<vmem>>
      %dma_start3A_366 = tpu.memref_squeeze %dma_start3A_365 : memref<1x128xi32, #tpu.memory_space<vmem>> -> memref<128xi32, #tpu.memory_space<vmem>>
      %dma_start3A_367 = arith.constant 0 : i32
      %dma_start3A_368 = arith.constant 0 : i32
      %dma_start3A_369 = tpu.memref_slice %arg4[%dma_start3A_367, %dma_start3A_368] : memref<100000x128xf32, #tpu.memory_space<hbm>> -> memref<100000x128xf32, #tpu.memory_space<hbm>>
      tpu.enqueue_indirect_dma source(%dma_start3A_369 : memref<100000x128xf32, #tpu.memory_space<hbm>>) target(%arg11 : memref<128x128xf32, #tpu.memory_space<vmem>>) offsets(%dma_start3A_366 : memref<128xi32, #tpu.memory_space<vmem>>) semaphore(%arg17 : memref<!tpu.dma_semaphore, #tpu.memory_space<semaphore_mem>>)
      %add3A_370 = arith.constant 2 : i32
      %add3A_371 = arith.addi %add3A_270, %add3A_370 : i32
      %dma_wait3A_372 = arith.constant 0 : i32
      %dma_wait3A_373 = tpu.memref_slice %arg8[%add3A_371, %dma_wait3A_372] : memref<50x128xi32, #tpu.memory_space<vmem>> -> memref<1x128xi32, #tpu.memory_space<vmem>>
      %dma_wait3A_374 = tpu.memref_squeeze %dma_wait3A_373 : memref<1x128xi32, #tpu.memory_space<vmem>> -> memref<128xi32, #tpu.memory_space<vmem>>
      %dma_wait3A_375 = arith.constant 0 : i32
      %dma_wait3A_376 = arith.constant 0 : i32
      %dma_wait3A_377 = tpu.memref_slice %arg4[%dma_wait3A_375, %dma_wait3A_376] : memref<100000x128xf32, #tpu.memory_space<hbm>> -> memref<100000x128xf32, #tpu.memory_space<hbm>>
      tpu.wait_indirect_dma semaphore(%arg16 : memref<!tpu.dma_semaphore, #tpu.memory_space<semaphore_mem>>) src(%dma_wait3A_377 : memref<100000x128xf32, #tpu.memory_space<hbm>>) dst(%arg10 : memref<128x128xf32, #tpu.memory_space<vmem>>)
      %dma_start3A_378 = arith.constant 0 : i32
      %dma_start3A_379 = tpu.memref_slice %arg9[%add3A_371, %dma_start3A_378] : memref<50x128xi32, #tpu.memory_space<vmem>> -> memref<1x128xi32, #tpu.memory_space<vmem>>
      %dma_start3A_380 = tpu.memref_squeeze %dma_start3A_379 : memref<1x128xi32, #tpu.memory_space<vmem>> -> memref<128xi32, #tpu.memory_space<vmem>>
      %dma_start3A_381 = arith.constant 0 : i32
      %dma_start3A_382 = arith.constant 0 : i32
      %dma_start3A_383 = tpu.memref_slice %arg15[%dma_start3A_381, %dma_start3A_382] : memref<400x128xf32, #tpu.memory_space<vmem_shared>> -> memref<400x128xf32, #tpu.memory_space<vmem_shared>>
      tpu.enqueue_indirect_dma source(%dma_start3A_383 : memref<400x128xf32, #tpu.memory_space<vmem_shared>>) target(%arg10 : memref<128x128xf32, #tpu.memory_space<vmem>>) offsets(%dma_start3A_380 : memref<128xi32, #tpu.memory_space<vmem>>) semaphore(%arg20 : memref<!tpu.dma_semaphore, #tpu.memory_space<semaphore_mem>>) {add = true}
      %sub3A_384 = arith.constant 1 : i32
      %sub3A_385 = arith.subi %add3A_371, %sub3A_384 : i32
      %dma_wait3A_386 = arith.constant 0 : i32
      %dma_wait3A_387 = tpu.memref_slice %arg9[%sub3A_385, %dma_wait3A_386] : memref<50x128xi32, #tpu.memory_space<vmem>> -> memref<1x128xi32, #tpu.memory_space<vmem>>
      %dma_wait3A_388 = tpu.memref_squeeze %dma_wait3A_387 : memref<1x128xi32, #tpu.memory_space<vmem>> -> memref<128xi32, #tpu.memory_space<vmem>>
      %dma_wait3A_389 = arith.constant 0 : i32
      %dma_wait3A_390 = arith.constant 0 : i32
      %dma_wait3A_391 = tpu.memref_slice %arg15[%dma_wait3A_389, %dma_wait3A_390] : memref<400x128xf32, #tpu.memory_space<vmem_shared>> -> memref<400x128xf32, #tpu.memory_space<vmem_shared>>
      tpu.wait_indirect_dma semaphore(%arg23 : memref<!tpu.dma_semaphore, #tpu.memory_space<semaphore_mem>>) src(%dma_wait3A_391 : memref<400x128xf32, #tpu.memory_space<vmem_shared>>) dst(%arg13 : memref<128x128xf32, #tpu.memory_space<vmem>>)
      %sub3A_392 = arith.constant 1 : i32
      %sub3A_393 = arith.subi %add3A_371, %sub3A_392 : i32
      %mul3A_394 = arith.constant 128 : i32
      %mul3A_395 = arith.muli %sub3A_393, %mul3A_394 : i32
      %add3A_396 = arith.addi %multiple_of3A, %mul3A_395 : i32
      %multiple_of3A_397 = tpu.assume_multiple %add3A_396, 128 : i32
      %dma_start3A_398 = arith.constant 0 : i32
      %dma_start3A_399 = tpu.memref_slice %arg7[%multiple_of3A_397, %dma_start3A_398] : memref<204800x128xf32, #tpu.memory_space<hbm>> -> memref<128x128xf32, #tpu.memory_space<hbm>>
      %dma_start3A_400 = arith.constant 0 : i32
      %dma_start3A_401 = tpu.memref_slice %arg7[%multiple_of3A_397, %dma_start3A_400] : memref<204800x128xf32, #tpu.memory_space<hbm>> -> memref<128x128xf32, #tpu.memory_space<hbm>>
      tpu.enqueue_dma source(%arg13 : memref<128x128xf32, #tpu.memory_space<vmem>>) target(%dma_start3A_401 : memref<128x128xf32, #tpu.memory_space<hbm>>) target_semaphore(%arg27 : memref<!tpu.dma_semaphore, #tpu.memory_space<semaphore_mem>>)
      %sub3A_402 = arith.constant 2 : i32
      %sub3A_403 = arith.subi %add3A_371, %sub3A_402 : i32
      %mul3A_404 = arith.constant 128 : i32
      %mul3A_405 = arith.muli %sub3A_403, %mul3A_404 : i32
      %add3A_406 = arith.addi %multiple_of3A, %mul3A_405 : i32
      %multiple_of3A_407 = tpu.assume_multiple %add3A_406, 128 : i32
      %dma_wait3A_408 = arith.constant 0 : i32
      %dma_wait3A_409 = tpu.memref_slice %arg7[%multiple_of3A_407, %dma_wait3A_408] : memref<204800x128xf32, #tpu.memory_space<hbm>> -> memref<128x128xf32, #tpu.memory_space<hbm>>
      %dma_wait3A_410 = arith.constant 0 : i32
      %dma_wait3A_411 = tpu.memref_slice %arg7[%multiple_of3A_407, %dma_wait3A_410] : memref<204800x128xf32, #tpu.memory_space<hbm>> -> memref<128x128xf32, #tpu.memory_space<hbm>>
      tpu.wait_dma2 semaphore(%arg26 : memref<!tpu.dma_semaphore, #tpu.memory_space<semaphore_mem>>) src(%arg12 : memref<128x128xf32, #tpu.memory_space<vmem>>) dst(%dma_wait3A_411 : memref<128x128xf32, #tpu.memory_space<hbm>>)
      %add3A_412 = arith.constant 2 : i32
      %add3A_413 = arith.addi %add3A_371, %add3A_412 : i32
      %dma_start3A_414 = arith.constant 0 : i32
      %dma_start3A_415 = tpu.memref_slice %arg8[%add3A_413, %dma_start3A_414] : memref<50x128xi32, #tpu.memory_space<vmem>> -> memref<1x128xi32, #tpu.memory_space<vmem>>
      %dma_start3A_416 = tpu.memref_squeeze %dma_start3A_415 : memref<1x128xi32, #tpu.memory_space<vmem>> -> memref<128xi32, #tpu.memory_space<vmem>>
      %dma_start3A_417 = arith.constant 0 : i32
      %dma_start3A_418 = arith.constant 0 : i32
      %dma_start3A_419 = tpu.memref_slice %arg4[%dma_start3A_417, %dma_start3A_418] : memref<100000x128xf32, #tpu.memory_space<hbm>> -> memref<100000x128xf32, #tpu.memory_space<hbm>>
      tpu.enqueue_indirect_dma source(%dma_start3A_419 : memref<100000x128xf32, #tpu.memory_space<hbm>>) target(%arg12 : memref<128x128xf32, #tpu.memory_space<vmem>>) offsets(%dma_start3A_416 : memref<128xi32, #tpu.memory_space<vmem>>) semaphore(%arg18 : memref<!tpu.dma_semaphore, #tpu.memory_space<semaphore_mem>>)
      %add3A_420 = arith.constant 3 : i32
      %add3A_421 = arith.addi %add3A_270, %add3A_420 : i32
      %dma_wait3A_422 = arith.constant 0 : i32
      %dma_wait3A_423 = tpu.memref_slice %arg8[%add3A_421, %dma_wait3A_422] : memref<50x128xi32, #tpu.memory_space<vmem>> -> memref<1x128xi32, #tpu.memory_space<vmem>>
      %dma_wait3A_424 = tpu.memref_squeeze %dma_wait3A_423 : memref<1x128xi32, #tpu.memory_space<vmem>> -> memref<128xi32, #tpu.memory_space<vmem>>
      %dma_wait3A_425 = arith.constant 0 : i32
      %dma_wait3A_426 = arith.constant 0 : i32
      %dma_wait3A_427 = tpu.memref_slice %arg4[%dma_wait3A_425, %dma_wait3A_426] : memref<100000x128xf32, #tpu.memory_space<hbm>> -> memref<100000x128xf32, #tpu.memory_space<hbm>>
      tpu.wait_indirect_dma semaphore(%arg17 : memref<!tpu.dma_semaphore, #tpu.memory_space<semaphore_mem>>) src(%dma_wait3A_427 : memref<100000x128xf32, #tpu.memory_space<hbm>>) dst(%arg11 : memref<128x128xf32, #tpu.memory_space<vmem>>)
      %dma_start3A_428 = arith.constant 0 : i32
      %dma_start3A_429 = tpu.memref_slice %arg9[%add3A_421, %dma_start3A_428] : memref<50x128xi32, #tpu.memory_space<vmem>> -> memref<1x128xi32, #tpu.memory_space<vmem>>
      %dma_start3A_430 = tpu.memref_squeeze %dma_start3A_429 : memref<1x128xi32, #tpu.memory_space<vmem>> -> memref<128xi32, #tpu.memory_space<vmem>>
      %dma_start3A_431 = arith.constant 0 : i32
      %dma_start3A_432 = arith.constant 0 : i32
      %dma_start3A_433 = tpu.memref_slice %arg15[%dma_start3A_431, %dma_start3A_432] : memref<400x128xf32, #tpu.memory_space<vmem_shared>> -> memref<400x128xf32, #tpu.memory_space<vmem_shared>>
      tpu.enqueue_indirect_dma source(%dma_start3A_433 : memref<400x128xf32, #tpu.memory_space<vmem_shared>>) target(%arg11 : memref<128x128xf32, #tpu.memory_space<vmem>>) offsets(%dma_start3A_430 : memref<128xi32, #tpu.memory_space<vmem>>) semaphore(%arg21 : memref<!tpu.dma_semaphore, #tpu.memory_space<semaphore_mem>>) {add = true}
      %sub3A_434 = arith.constant 1 : i32
      %sub3A_435 = arith.subi %add3A_421, %sub3A_434 : i32
      %dma_wait3A_436 = arith.constant 0 : i32
      %dma_wait3A_437 = tpu.memref_slice %arg9[%sub3A_435, %dma_wait3A_436] : memref<50x128xi32, #tpu.memory_space<vmem>> -> memref<1x128xi32, #tpu.memory_space<vmem>>
      %dma_wait3A_438 = tpu.memref_squeeze %dma_wait3A_437 : memref<1x128xi32, #tpu.memory_space<vmem>> -> memref<128xi32, #tpu.memory_space<vmem>>
      %dma_wait3A_439 = arith.constant 0 : i32
      %dma_wait3A_440 = arith.constant 0 : i32
      %dma_wait3A_441 = tpu.memref_slice %arg15[%dma_wait3A_439, %dma_wait3A_440] : memref<400x128xf32, #tpu.memory_space<vmem_shared>> -> memref<400x128xf32, #tpu.memory_space<vmem_shared>>
      tpu.wait_indirect_dma semaphore(%arg20 : memref<!tpu.dma_semaphore, #tpu.memory_space<semaphore_mem>>) src(%dma_wait3A_441 : memref<400x128xf32, #tpu.memory_space<vmem_shared>>) dst(%arg10 : memref<128x128xf32, #tpu.memory_space<vmem>>)
      %sub3A_442 = arith.constant 1 : i32
      %sub3A_443 = arith.subi %add3A_421, %sub3A_442 : i32
      %mul3A_444 = arith.constant 128 : i32
      %mul3A_445 = arith.muli %sub3A_443, %mul3A_444 : i32
      %add3A_446 = arith.addi %multiple_of3A, %mul3A_445 : i32
      %multiple_of3A_447 = tpu.assume_multiple %add3A_446, 128 : i32
      %dma_start3A_448 = arith.constant 0 : i32
      %dma_start3A_449 = tpu.memref_slice %arg7[%multiple_of3A_447, %dma_start3A_448] : memref<204800x128xf32, #tpu.memory_space<hbm>> -> memref<128x128xf32, #tpu.memory_space<hbm>>
      %dma_start3A_450 = arith.constant 0 : i32
      %dma_start3A_451 = tpu.memref_slice %arg7[%multiple_of3A_447, %dma_start3A_450] : memref<204800x128xf32, #tpu.memory_space<hbm>> -> memref<128x128xf32, #tpu.memory_space<hbm>>
      tpu.enqueue_dma source(%arg10 : memref<128x128xf32, #tpu.memory_space<vmem>>) target(%dma_start3A_451 : memref<128x128xf32, #tpu.memory_space<hbm>>) target_semaphore(%arg24 : memref<!tpu.dma_semaphore, #tpu.memory_space<semaphore_mem>>)
      %sub3A_452 = arith.constant 2 : i32
      %sub3A_453 = arith.subi %add3A_421, %sub3A_452 : i32
      %mul3A_454 = arith.constant 128 : i32
      %mul3A_455 = arith.muli %sub3A_453, %mul3A_454 : i32
      %add3A_456 = arith.addi %multiple_of3A, %mul3A_455 : i32
      %multiple_of3A_457 = tpu.assume_multiple %add3A_456, 128 : i32
      %dma_wait3A_458 = arith.constant 0 : i32
      %dma_wait3A_459 = tpu.memref_slice %arg7[%multiple_of3A_457, %dma_wait3A_458] : memref<204800x128xf32, #tpu.memory_space<hbm>> -> memref<128x128xf32, #tpu.memory_space<hbm>>
      %dma_wait3A_460 = arith.constant 0 : i32
      %dma_wait3A_461 = tpu.memref_slice %arg7[%multiple_of3A_457, %dma_wait3A_460] : memref<204800x128xf32, #tpu.memory_space<hbm>> -> memref<128x128xf32, #tpu.memory_space<hbm>>
      tpu.wait_dma2 semaphore(%arg27 : memref<!tpu.dma_semaphore, #tpu.memory_space<semaphore_mem>>) src(%arg13 : memref<128x128xf32, #tpu.memory_space<vmem>>) dst(%dma_wait3A_461 : memref<128x128xf32, #tpu.memory_space<hbm>>)
      %add3A_462 = arith.constant 2 : i32
      %add3A_463 = arith.addi %add3A_421, %add3A_462 : i32
      %dma_start3A_464 = arith.constant 0 : i32
      %dma_start3A_465 = tpu.memref_slice %arg8[%add3A_463, %dma_start3A_464] : memref<50x128xi32, #tpu.memory_space<vmem>> -> memref<1x128xi32, #tpu.memory_space<vmem>>
      %dma_start3A_466 = tpu.memref_squeeze %dma_start3A_465 : memref<1x128xi32, #tpu.memory_space<vmem>> -> memref<128xi32, #tpu.memory_space<vmem>>
      %dma_start3A_467 = arith.constant 0 : i32
      %dma_start3A_468 = arith.constant 0 : i32
      %dma_start3A_469 = tpu.memref_slice %arg4[%dma_start3A_467, %dma_start3A_468] : memref<100000x128xf32, #tpu.memory_space<hbm>> -> memref<100000x128xf32, #tpu.memory_space<hbm>>
      tpu.enqueue_indirect_dma source(%dma_start3A_469 : memref<100000x128xf32, #tpu.memory_space<hbm>>) target(%arg13 : memref<128x128xf32, #tpu.memory_space<vmem>>) offsets(%dma_start3A_466 : memref<128xi32, #tpu.memory_space<vmem>>) semaphore(%arg19 : memref<!tpu.dma_semaphore, #tpu.memory_space<semaphore_mem>>)
    }
    %scan3A_83 = arith.constant 11 : i32
    %dma_wait3A_84 = arith.constant 46 : i32
    %dma_wait3A_85 = arith.constant 0 : i32
    %dma_wait3A_86 = tpu.memref_slice %arg8[%dma_wait3A_84, %dma_wait3A_85] : memref<50x128xi32, #tpu.memory_space<vmem>> -> memref<1x128xi32, #tpu.memory_space<vmem>>
    %dma_wait3A_87 = tpu.memref_squeeze %dma_wait3A_86 : memref<1x128xi32, #tpu.memory_space<vmem>> -> memref<128xi32, #tpu.memory_space<vmem>>
    %dma_wait3A_88 = arith.constant 0 : i32
    %dma_wait3A_89 = arith.constant 0 : i32
    %dma_wait3A_90 = tpu.memref_slice %arg4[%dma_wait3A_88, %dma_wait3A_89] : memref<100000x128xf32, #tpu.memory_space<hbm>> -> memref<100000x128xf32, #tpu.memory_space<hbm>>
    tpu.wait_indirect_dma semaphore(%arg18 : memref<!tpu.dma_semaphore, #tpu.memory_space<semaphore_mem>>) src(%dma_wait3A_90 : memref<100000x128xf32, #tpu.memory_space<hbm>>) dst(%arg12 : memref<128x128xf32, #tpu.memory_space<vmem>>)
    %dma_start3A_91 = arith.constant 46 : i32
    %dma_start3A_92 = arith.constant 0 : i32
    %dma_start3A_93 = tpu.memref_slice %arg9[%dma_start3A_91, %dma_start3A_92] : memref<50x128xi32, #tpu.memory_space<vmem>> -> memref<1x128xi32, #tpu.memory_space<vmem>>
    %dma_start3A_94 = tpu.memref_squeeze %dma_start3A_93 : memref<1x128xi32, #tpu.memory_space<vmem>> -> memref<128xi32, #tpu.memory_space<vmem>>
    %dma_start3A_95 = arith.constant 0 : i32
    %dma_start3A_96 = arith.constant 0 : i32
    %dma_start3A_97 = tpu.memref_slice %arg15[%dma_start3A_95, %dma_start3A_96] : memref<400x128xf32, #tpu.memory_space<vmem_shared>> -> memref<400x128xf32, #tpu.memory_space<vmem_shared>>
    tpu.enqueue_indirect_dma source(%dma_start3A_97 : memref<400x128xf32, #tpu.memory_space<vmem_shared>>) target(%arg12 : memref<128x128xf32, #tpu.memory_space<vmem>>) offsets(%dma_start3A_94 : memref<128xi32, #tpu.memory_space<vmem>>) semaphore(%arg22 : memref<!tpu.dma_semaphore, #tpu.memory_space<semaphore_mem>>) {add = true}
    %dma_wait3A_98 = arith.constant 45 : i32
    %dma_wait3A_99 = arith.constant 0 : i32
    %dma_wait3A_100 = tpu.memref_slice %arg9[%dma_wait3A_98, %dma_wait3A_99] : memref<50x128xi32, #tpu.memory_space<vmem>> -> memref<1x128xi32, #tpu.memory_space<vmem>>
    %dma_wait3A_101 = tpu.memref_squeeze %dma_wait3A_100 : memref<1x128xi32, #tpu.memory_space<vmem>> -> memref<128xi32, #tpu.memory_space<vmem>>
    %dma_wait3A_102 = arith.constant 0 : i32
    %dma_wait3A_103 = arith.constant 0 : i32
    %dma_wait3A_104 = tpu.memref_slice %arg15[%dma_wait3A_102, %dma_wait3A_103] : memref<400x128xf32, #tpu.memory_space<vmem_shared>> -> memref<400x128xf32, #tpu.memory_space<vmem_shared>>
    tpu.wait_indirect_dma semaphore(%arg21 : memref<!tpu.dma_semaphore, #tpu.memory_space<semaphore_mem>>) src(%dma_wait3A_104 : memref<400x128xf32, #tpu.memory_space<vmem_shared>>) dst(%arg11 : memref<128x128xf32, #tpu.memory_space<vmem>>)
    %add3A_105 = arith.constant 5760 : i32
    %add3A_106 = arith.addi %multiple_of3A, %add3A_105 : i32
    %multiple_of3A_107 = tpu.assume_multiple %add3A_106, 128 : i32
    %dma_start3A_108 = arith.constant 0 : i32
    %dma_start3A_109 = tpu.memref_slice %arg7[%multiple_of3A_107, %dma_start3A_108] : memref<204800x128xf32, #tpu.memory_space<hbm>> -> memref<128x128xf32, #tpu.memory_space<hbm>>
    %dma_start3A_110 = arith.constant 0 : i32
    %dma_start3A_111 = tpu.memref_slice %arg7[%multiple_of3A_107, %dma_start3A_110] : memref<204800x128xf32, #tpu.memory_space<hbm>> -> memref<128x128xf32, #tpu.memory_space<hbm>>
    tpu.enqueue_dma source(%arg11 : memref<128x128xf32, #tpu.memory_space<vmem>>) target(%dma_start3A_111 : memref<128x128xf32, #tpu.memory_space<hbm>>) target_semaphore(%arg25 : memref<!tpu.dma_semaphore, #tpu.memory_space<semaphore_mem>>)
    %add3A_112 = arith.constant 5632 : i32
    %add3A_113 = arith.addi %multiple_of3A, %add3A_112 : i32
    %multiple_of3A_114 = tpu.assume_multiple %add3A_113, 128 : i32
    %dma_wait3A_115 = arith.constant 0 : i32
    %dma_wait3A_116 = tpu.memref_slice %arg7[%multiple_of3A_114, %dma_wait3A_115] : memref<204800x128xf32, #tpu.memory_space<hbm>> -> memref<128x128xf32, #tpu.memory_space<hbm>>
    %dma_wait3A_117 = arith.constant 0 : i32
    %dma_wait3A_118 = tpu.memref_slice %arg7[%multiple_of3A_114, %dma_wait3A_117] : memref<204800x128xf32, #tpu.memory_space<hbm>> -> memref<128x128xf32, #tpu.memory_space<hbm>>
    tpu.wait_dma2 semaphore(%arg24 : memref<!tpu.dma_semaphore, #tpu.memory_space<semaphore_mem>>) src(%arg10 : memref<128x128xf32, #tpu.memory_space<vmem>>) dst(%dma_wait3A_118 : memref<128x128xf32, #tpu.memory_space<hbm>>)
    %dma_start3A_119 = arith.constant 48 : i32
    %dma_start3A_120 = arith.constant 0 : i32
    %dma_start3A_121 = tpu.memref_slice %arg8[%dma_start3A_119, %dma_start3A_120] : memref<50x128xi32, #tpu.memory_space<vmem>> -> memref<1x128xi32, #tpu.memory_space<vmem>>
    %dma_start3A_122 = tpu.memref_squeeze %dma_start3A_121 : memref<1x128xi32, #tpu.memory_space<vmem>> -> memref<128xi32, #tpu.memory_space<vmem>>
    %dma_start3A_123 = arith.constant 0 : i32
    %dma_start3A_124 = arith.constant 0 : i32
    %dma_start3A_125 = tpu.memref_slice %arg4[%dma_start3A_123, %dma_start3A_124] : memref<100000x128xf32, #tpu.memory_space<hbm>> -> memref<100000x128xf32, #tpu.memory_space<hbm>>
    tpu.enqueue_indirect_dma source(%dma_start3A_125 : memref<100000x128xf32, #tpu.memory_space<hbm>>) target(%arg10 : memref<128x128xf32, #tpu.memory_space<vmem>>) offsets(%dma_start3A_122 : memref<128xi32, #tpu.memory_space<vmem>>) semaphore(%arg16 : memref<!tpu.dma_semaphore, #tpu.memory_space<semaphore_mem>>)
    %dma_wait3A_126 = arith.constant 47 : i32
    %dma_wait3A_127 = arith.constant 0 : i32
    %dma_wait3A_128 = tpu.memref_slice %arg8[%dma_wait3A_126, %dma_wait3A_127] : memref<50x128xi32, #tpu.memory_space<vmem>> -> memref<1x128xi32, #tpu.memory_space<vmem>>
    %dma_wait3A_129 = tpu.memref_squeeze %dma_wait3A_128 : memref<1x128xi32, #tpu.memory_space<vmem>> -> memref<128xi32, #tpu.memory_space<vmem>>
    %dma_wait3A_130 = arith.constant 0 : i32
    %dma_wait3A_131 = arith.constant 0 : i32
    %dma_wait3A_132 = tpu.memref_slice %arg4[%dma_wait3A_130, %dma_wait3A_131] : memref<100000x128xf32, #tpu.memory_space<hbm>> -> memref<100000x128xf32, #tpu.memory_space<hbm>>
    tpu.wait_indirect_dma semaphore(%arg19 : memref<!tpu.dma_semaphore, #tpu.memory_space<semaphore_mem>>) src(%dma_wait3A_132 : memref<100000x128xf32, #tpu.memory_space<hbm>>) dst(%arg13 : memref<128x128xf32, #tpu.memory_space<vmem>>)
    %dma_start3A_133 = arith.constant 47 : i32
    %dma_start3A_134 = arith.constant 0 : i32
    %dma_start3A_135 = tpu.memref_slice %arg9[%dma_start3A_133, %dma_start3A_134] : memref<50x128xi32, #tpu.memory_space<vmem>> -> memref<1x128xi32, #tpu.memory_space<vmem>>
    %dma_start3A_136 = tpu.memref_squeeze %dma_start3A_135 : memref<1x128xi32, #tpu.memory_space<vmem>> -> memref<128xi32, #tpu.memory_space<vmem>>
    %dma_start3A_137 = arith.constant 0 : i32
    %dma_start3A_138 = arith.constant 0 : i32
    %dma_start3A_139 = tpu.memref_slice %arg15[%dma_start3A_137, %dma_start3A_138] : memref<400x128xf32, #tpu.memory_space<vmem_shared>> -> memref<400x128xf32, #tpu.memory_space<vmem_shared>>
    tpu.enqueue_indirect_dma source(%dma_start3A_139 : memref<400x128xf32, #tpu.memory_space<vmem_shared>>) target(%arg13 : memref<128x128xf32, #tpu.memory_space<vmem>>) offsets(%dma_start3A_136 : memref<128xi32, #tpu.memory_space<vmem>>) semaphore(%arg23 : memref<!tpu.dma_semaphore, #tpu.memory_space<semaphore_mem>>) {add = true}
    %dma_wait3A_140 = arith.constant 46 : i32
    %dma_wait3A_141 = arith.constant 0 : i32
    %dma_wait3A_142 = tpu.memref_slice %arg9[%dma_wait3A_140, %dma_wait3A_141] : memref<50x128xi32, #tpu.memory_space<vmem>> -> memref<1x128xi32, #tpu.memory_space<vmem>>
    %dma_wait3A_143 = tpu.memref_squeeze %dma_wait3A_142 : memref<1x128xi32, #tpu.memory_space<vmem>> -> memref<128xi32, #tpu.memory_space<vmem>>
    %dma_wait3A_144 = arith.constant 0 : i32
    %dma_wait3A_145 = arith.constant 0 : i32
    %dma_wait3A_146 = tpu.memref_slice %arg15[%dma_wait3A_144, %dma_wait3A_145] : memref<400x128xf32, #tpu.memory_space<vmem_shared>> -> memref<400x128xf32, #tpu.memory_space<vmem_shared>>
    tpu.wait_indirect_dma semaphore(%arg22 : memref<!tpu.dma_semaphore, #tpu.memory_space<semaphore_mem>>) src(%dma_wait3A_146 : memref<400x128xf32, #tpu.memory_space<vmem_shared>>) dst(%arg12 : memref<128x128xf32, #tpu.memory_space<vmem>>)
    %add3A_147 = arith.constant 5888 : i32
    %add3A_148 = arith.addi %multiple_of3A, %add3A_147 : i32
    %multiple_of3A_149 = tpu.assume_multiple %add3A_148, 128 : i32
    %dma_start3A_150 = arith.constant 0 : i32
    %dma_start3A_151 = tpu.memref_slice %arg7[%multiple_of3A_149, %dma_start3A_150] : memref<204800x128xf32, #tpu.memory_space<hbm>> -> memref<128x128xf32, #tpu.memory_space<hbm>>
    %dma_start3A_152 = arith.constant 0 : i32
    %dma_start3A_153 = tpu.memref_slice %arg7[%multiple_of3A_149, %dma_start3A_152] : memref<204800x128xf32, #tpu.memory_space<hbm>> -> memref<128x128xf32, #tpu.memory_space<hbm>>
    tpu.enqueue_dma source(%arg12 : memref<128x128xf32, #tpu.memory_space<vmem>>) target(%dma_start3A_153 : memref<128x128xf32, #tpu.memory_space<hbm>>) target_semaphore(%arg26 : memref<!tpu.dma_semaphore, #tpu.memory_space<semaphore_mem>>)
    %add3A_154 = arith.constant 5760 : i32
    %add3A_155 = arith.addi %multiple_of3A, %add3A_154 : i32
    %multiple_of3A_156 = tpu.assume_multiple %add3A_155, 128 : i32
    %dma_wait3A_157 = arith.constant 0 : i32
    %dma_wait3A_158 = tpu.memref_slice %arg7[%multiple_of3A_156, %dma_wait3A_157] : memref<204800x128xf32, #tpu.memory_space<hbm>> -> memref<128x128xf32, #tpu.memory_space<hbm>>
    %dma_wait3A_159 = arith.constant 0 : i32
    %dma_wait3A_160 = tpu.memref_slice %arg7[%multiple_of3A_156, %dma_wait3A_159] : memref<204800x128xf32, #tpu.memory_space<hbm>> -> memref<128x128xf32, #tpu.memory_space<hbm>>
    tpu.wait_dma2 semaphore(%arg25 : memref<!tpu.dma_semaphore, #tpu.memory_space<semaphore_mem>>) src(%arg11 : memref<128x128xf32, #tpu.memory_space<vmem>>) dst(%dma_wait3A_160 : memref<128x128xf32, #tpu.memory_space<hbm>>)
    %dma_start3A_161 = arith.constant 49 : i32
    %dma_start3A_162 = arith.constant 0 : i32
    %dma_start3A_163 = tpu.memref_slice %arg8[%dma_start3A_161, %dma_start3A_162] : memref<50x128xi32, #tpu.memory_space<vmem>> -> memref<1x128xi32, #tpu.memory_space<vmem>>
    %dma_start3A_164 = tpu.memref_squeeze %dma_start3A_163 : memref<1x128xi32, #tpu.memory_space<vmem>> -> memref<128xi32, #tpu.memory_space<vmem>>
    %dma_start3A_165 = arith.constant 0 : i32
    %dma_start3A_166 = arith.constant 0 : i32
    %dma_start3A_167 = tpu.memref_slice %arg4[%dma_start3A_165, %dma_start3A_166] : memref<100000x128xf32, #tpu.memory_space<hbm>> -> memref<100000x128xf32, #tpu.memory_space<hbm>>
    tpu.enqueue_indirect_dma source(%dma_start3A_167 : memref<100000x128xf32, #tpu.memory_space<hbm>>) target(%arg11 : memref<128x128xf32, #tpu.memory_space<vmem>>) offsets(%dma_start3A_164 : memref<128xi32, #tpu.memory_space<vmem>>) semaphore(%arg17 : memref<!tpu.dma_semaphore, #tpu.memory_space<semaphore_mem>>)
    %dma_wait3A_168 = arith.constant 48 : i32
    %dma_wait3A_169 = arith.constant 0 : i32
    %dma_wait3A_170 = tpu.memref_slice %arg8[%dma_wait3A_168, %dma_wait3A_169] : memref<50x128xi32, #tpu.memory_space<vmem>> -> memref<1x128xi32, #tpu.memory_space<vmem>>
    %dma_wait3A_171 = tpu.memref_squeeze %dma_wait3A_170 : memref<1x128xi32, #tpu.memory_space<vmem>> -> memref<128xi32, #tpu.memory_space<vmem>>
    %dma_wait3A_172 = arith.constant 0 : i32
    %dma_wait3A_173 = arith.constant 0 : i32
    %dma_wait3A_174 = tpu.memref_slice %arg4[%dma_wait3A_172, %dma_wait3A_173] : memref<100000x128xf32, #tpu.memory_space<hbm>> -> memref<100000x128xf32, #tpu.memory_space<hbm>>
    tpu.wait_indirect_dma semaphore(%arg16 : memref<!tpu.dma_semaphore, #tpu.memory_space<semaphore_mem>>) src(%dma_wait3A_174 : memref<100000x128xf32, #tpu.memory_space<hbm>>) dst(%arg10 : memref<128x128xf32, #tpu.memory_space<vmem>>)
    %dma_start3A_175 = arith.constant 48 : i32
    %dma_start3A_176 = arith.constant 0 : i32
    %dma_start3A_177 = tpu.memref_slice %arg9[%dma_start3A_175, %dma_start3A_176] : memref<50x128xi32, #tpu.memory_space<vmem>> -> memref<1x128xi32, #tpu.memory_space<vmem>>
    %dma_start3A_178 = tpu.memref_squeeze %dma_start3A_177 : memref<1x128xi32, #tpu.memory_space<vmem>> -> memref<128xi32, #tpu.memory_space<vmem>>
    %dma_start3A_179 = arith.constant 0 : i32
    %dma_start3A_180 = arith.constant 0 : i32
    %dma_start3A_181 = tpu.memref_slice %arg15[%dma_start3A_179, %dma_start3A_180] : memref<400x128xf32, #tpu.memory_space<vmem_shared>> -> memref<400x128xf32, #tpu.memory_space<vmem_shared>>
    tpu.enqueue_indirect_dma source(%dma_start3A_181 : memref<400x128xf32, #tpu.memory_space<vmem_shared>>) target(%arg10 : memref<128x128xf32, #tpu.memory_space<vmem>>) offsets(%dma_start3A_178 : memref<128xi32, #tpu.memory_space<vmem>>) semaphore(%arg20 : memref<!tpu.dma_semaphore, #tpu.memory_space<semaphore_mem>>) {add = true}
    %dma_wait3A_182 = arith.constant 47 : i32
    %dma_wait3A_183 = arith.constant 0 : i32
    %dma_wait3A_184 = tpu.memref_slice %arg9[%dma_wait3A_182, %dma_wait3A_183] : memref<50x128xi32, #tpu.memory_space<vmem>> -> memref<1x128xi32, #tpu.memory_space<vmem>>
    %dma_wait3A_185 = tpu.memref_squeeze %dma_wait3A_184 : memref<1x128xi32, #tpu.memory_space<vmem>> -> memref<128xi32, #tpu.memory_space<vmem>>
    %dma_wait3A_186 = arith.constant 0 : i32
    %dma_wait3A_187 = arith.constant 0 : i32
    %dma_wait3A_188 = tpu.memref_slice %arg15[%dma_wait3A_186, %dma_wait3A_187] : memref<400x128xf32, #tpu.memory_space<vmem_shared>> -> memref<400x128xf32, #tpu.memory_space<vmem_shared>>
    tpu.wait_indirect_dma semaphore(%arg23 : memref<!tpu.dma_semaphore, #tpu.memory_space<semaphore_mem>>) src(%dma_wait3A_188 : memref<400x128xf32, #tpu.memory_space<vmem_shared>>) dst(%arg13 : memref<128x128xf32, #tpu.memory_space<vmem>>)
    %add3A_189 = arith.constant 6016 : i32
    %add3A_190 = arith.addi %multiple_of3A, %add3A_189 : i32
    %multiple_of3A_191 = tpu.assume_multiple %add3A_190, 128 : i32
    %dma_start3A_192 = arith.constant 0 : i32
    %dma_start3A_193 = tpu.memref_slice %arg7[%multiple_of3A_191, %dma_start3A_192] : memref<204800x128xf32, #tpu.memory_space<hbm>> -> memref<128x128xf32, #tpu.memory_space<hbm>>
    %dma_start3A_194 = arith.constant 0 : i32
    %dma_start3A_195 = tpu.memref_slice %arg7[%multiple_of3A_191, %dma_start3A_194] : memref<204800x128xf32, #tpu.memory_space<hbm>> -> memref<128x128xf32, #tpu.memory_space<hbm>>
    tpu.enqueue_dma source(%arg13 : memref<128x128xf32, #tpu.memory_space<vmem>>) target(%dma_start3A_195 : memref<128x128xf32, #tpu.memory_space<hbm>>) target_semaphore(%arg27 : memref<!tpu.dma_semaphore, #tpu.memory_space<semaphore_mem>>)
    %add3A_196 = arith.constant 5888 : i32
    %add3A_197 = arith.addi %multiple_of3A, %add3A_196 : i32
    %multiple_of3A_198 = tpu.assume_multiple %add3A_197, 128 : i32
    %dma_wait3A_199 = arith.constant 0 : i32
    %dma_wait3A_200 = tpu.memref_slice %arg7[%multiple_of3A_198, %dma_wait3A_199] : memref<204800x128xf32, #tpu.memory_space<hbm>> -> memref<128x128xf32, #tpu.memory_space<hbm>>
    %dma_wait3A_201 = arith.constant 0 : i32
    %dma_wait3A_202 = tpu.memref_slice %arg7[%multiple_of3A_198, %dma_wait3A_201] : memref<204800x128xf32, #tpu.memory_space<hbm>> -> memref<128x128xf32, #tpu.memory_space<hbm>>
    tpu.wait_dma2 semaphore(%arg26 : memref<!tpu.dma_semaphore, #tpu.memory_space<semaphore_mem>>) src(%arg12 : memref<128x128xf32, #tpu.memory_space<vmem>>) dst(%dma_wait3A_202 : memref<128x128xf32, #tpu.memory_space<hbm>>)
    %dma_wait3A_203 = arith.constant 49 : i32
    %dma_wait3A_204 = arith.constant 0 : i32
    %dma_wait3A_205 = tpu.memref_slice %arg8[%dma_wait3A_203, %dma_wait3A_204] : memref<50x128xi32, #tpu.memory_space<vmem>> -> memref<1x128xi32, #tpu.memory_space<vmem>>
    %dma_wait3A_206 = tpu.memref_squeeze %dma_wait3A_205 : memref<1x128xi32, #tpu.memory_space<vmem>> -> memref<128xi32, #tpu.memory_space<vmem>>
    %dma_wait3A_207 = arith.constant 0 : i32
    %dma_wait3A_208 = arith.constant 0 : i32
    %dma_wait3A_209 = tpu.memref_slice %arg4[%dma_wait3A_207, %dma_wait3A_208] : memref<100000x128xf32, #tpu.memory_space<hbm>> -> memref<100000x128xf32, #tpu.memory_space<hbm>>
    tpu.wait_indirect_dma semaphore(%arg17 : memref<!tpu.dma_semaphore, #tpu.memory_space<semaphore_mem>>) src(%dma_wait3A_209 : memref<100000x128xf32, #tpu.memory_space<hbm>>) dst(%arg11 : memref<128x128xf32, #tpu.memory_space<vmem>>)
    %dma_start3A_210 = arith.constant 49 : i32
    %dma_start3A_211 = arith.constant 0 : i32
    %dma_start3A_212 = tpu.memref_slice %arg9[%dma_start3A_210, %dma_start3A_211] : memref<50x128xi32, #tpu.memory_space<vmem>> -> memref<1x128xi32, #tpu.memory_space<vmem>>
    %dma_start3A_213 = tpu.memref_squeeze %dma_start3A_212 : memref<1x128xi32, #tpu.memory_space<vmem>> -> memref<128xi32, #tpu.memory_space<vmem>>
    %dma_start3A_214 = arith.constant 0 : i32
    %dma_start3A_215 = arith.constant 0 : i32
    %dma_start3A_216 = tpu.memref_slice %arg15[%dma_start3A_214, %dma_start3A_215] : memref<400x128xf32, #tpu.memory_space<vmem_shared>> -> memref<400x128xf32, #tpu.memory_space<vmem_shared>>
    tpu.enqueue_indirect_dma source(%dma_start3A_216 : memref<400x128xf32, #tpu.memory_space<vmem_shared>>) target(%arg11 : memref<128x128xf32, #tpu.memory_space<vmem>>) offsets(%dma_start3A_213 : memref<128xi32, #tpu.memory_space<vmem>>) semaphore(%arg21 : memref<!tpu.dma_semaphore, #tpu.memory_space<semaphore_mem>>) {add = true}
    %dma_wait3A_217 = arith.constant 48 : i32
    %dma_wait3A_218 = arith.constant 0 : i32
    %dma_wait3A_219 = tpu.memref_slice %arg9[%dma_wait3A_217, %dma_wait3A_218] : memref<50x128xi32, #tpu.memory_space<vmem>> -> memref<1x128xi32, #tpu.memory_space<vmem>>
    %dma_wait3A_220 = tpu.memref_squeeze %dma_wait3A_219 : memref<1x128xi32, #tpu.memory_space<vmem>> -> memref<128xi32, #tpu.memory_space<vmem>>
    %dma_wait3A_221 = arith.constant 0 : i32
    %dma_wait3A_222 = arith.constant 0 : i32
    %dma_wait3A_223 = tpu.memref_slice %arg15[%dma_wait3A_221, %dma_wait3A_222] : memref<400x128xf32, #tpu.memory_space<vmem_shared>> -> memref<400x128xf32, #tpu.memory_space<vmem_shared>>
    tpu.wait_indirect_dma semaphore(%arg20 : memref<!tpu.dma_semaphore, #tpu.memory_space<semaphore_mem>>) src(%dma_wait3A_223 : memref<400x128xf32, #tpu.memory_space<vmem_shared>>) dst(%arg10 : memref<128x128xf32, #tpu.memory_space<vmem>>)
    %add3A_224 = arith.constant 6144 : i32
    %add3A_225 = arith.addi %multiple_of3A, %add3A_224 : i32
    %multiple_of3A_226 = tpu.assume_multiple %add3A_225, 128 : i32
    %dma_start3A_227 = arith.constant 0 : i32
    %dma_start3A_228 = tpu.memref_slice %arg7[%multiple_of3A_226, %dma_start3A_227] : memref<204800x128xf32, #tpu.memory_space<hbm>> -> memref<128x128xf32, #tpu.memory_space<hbm>>
    %dma_start3A_229 = arith.constant 0 : i32
    %dma_start3A_230 = tpu.memref_slice %arg7[%multiple_of3A_226, %dma_start3A_229] : memref<204800x128xf32, #tpu.memory_space<hbm>> -> memref<128x128xf32, #tpu.memory_space<hbm>>
    tpu.enqueue_dma source(%arg10 : memref<128x128xf32, #tpu.memory_space<vmem>>) target(%dma_start3A_230 : memref<128x128xf32, #tpu.memory_space<hbm>>) target_semaphore(%arg24 : memref<!tpu.dma_semaphore, #tpu.memory_space<semaphore_mem>>)
    %add3A_231 = arith.constant 6016 : i32
    %add3A_232 = arith.addi %multiple_of3A, %add3A_231 : i32
    %multiple_of3A_233 = tpu.assume_multiple %add3A_232, 128 : i32
    %dma_wait3A_234 = arith.constant 0 : i32
    %dma_wait3A_235 = tpu.memref_slice %arg7[%multiple_of3A_233, %dma_wait3A_234] : memref<204800x128xf32, #tpu.memory_space<hbm>> -> memref<128x128xf32, #tpu.memory_space<hbm>>
    %dma_wait3A_236 = arith.constant 0 : i32
    %dma_wait3A_237 = tpu.memref_slice %arg7[%multiple_of3A_233, %dma_wait3A_236] : memref<204800x128xf32, #tpu.memory_space<hbm>> -> memref<128x128xf32, #tpu.memory_space<hbm>>
    tpu.wait_dma2 semaphore(%arg27 : memref<!tpu.dma_semaphore, #tpu.memory_space<semaphore_mem>>) src(%arg13 : memref<128x128xf32, #tpu.memory_space<vmem>>) dst(%dma_wait3A_237 : memref<128x128xf32, #tpu.memory_space<hbm>>)
    %dma_wait3A_238 = arith.constant 49 : i32
    %dma_wait3A_239 = arith.constant 0 : i32
    %dma_wait3A_240 = tpu.memref_slice %arg9[%dma_wait3A_238, %dma_wait3A_239] : memref<50x128xi32, #tpu.memory_space<vmem>> -> memref<1x128xi32, #tpu.memory_space<vmem>>
    %dma_wait3A_241 = tpu.memref_squeeze %dma_wait3A_240 : memref<1x128xi32, #tpu.memory_space<vmem>> -> memref<128xi32, #tpu.memory_space<vmem>>
    %dma_wait3A_242 = arith.constant 0 : i32
    %dma_wait3A_243 = arith.constant 0 : i32
    %dma_wait3A_244 = tpu.memref_slice %arg15[%dma_wait3A_242, %dma_wait3A_243] : memref<400x128xf32, #tpu.memory_space<vmem_shared>> -> memref<400x128xf32, #tpu.memory_space<vmem_shared>>
    tpu.wait_indirect_dma semaphore(%arg21 : memref<!tpu.dma_semaphore, #tpu.memory_space<semaphore_mem>>) src(%dma_wait3A_244 : memref<400x128xf32, #tpu.memory_space<vmem_shared>>) dst(%arg11 : memref<128x128xf32, #tpu.memory_space<vmem>>)
    %add3A_245 = arith.constant 6272 : i32
    %add3A_246 = arith.addi %multiple_of3A, %add3A_245 : i32
    %multiple_of3A_247 = tpu.assume_multiple %add3A_246, 128 : i32
    %dma_start3A_248 = arith.constant 0 : i32
    %dma_start3A_249 = tpu.memref_slice %arg7[%multiple_of3A_247, %dma_start3A_248] : memref<204800x128xf32, #tpu.memory_space<hbm>> -> memref<128x128xf32, #tpu.memory_space<hbm>>
    %dma_start3A_250 = arith.constant 0 : i32
    %dma_start3A_251 = tpu.memref_slice %arg7[%multiple_of3A_247, %dma_start3A_250] : memref<204800x128xf32, #tpu.memory_space<hbm>> -> memref<128x128xf32, #tpu.memory_space<hbm>>
    tpu.enqueue_dma source(%arg11 : memref<128x128xf32, #tpu.memory_space<vmem>>) target(%dma_start3A_251 : memref<128x128xf32, #tpu.memory_space<hbm>>) target_semaphore(%arg25 : memref<!tpu.dma_semaphore, #tpu.memory_space<semaphore_mem>>)
    %add3A_252 = arith.constant 6144 : i32
    %add3A_253 = arith.addi %multiple_of3A, %add3A_252 : i32
    %multiple_of3A_254 = tpu.assume_multiple %add3A_253, 128 : i32
    %dma_wait3A_255 = arith.constant 0 : i32
    %dma_wait3A_256 = tpu.memref_slice %arg7[%multiple_of3A_254, %dma_wait3A_255] : memref<204800x128xf32, #tpu.memory_space<hbm>> -> memref<128x128xf32, #tpu.memory_space<hbm>>
    %dma_wait3A_257 = arith.constant 0 : i32
    %dma_wait3A_258 = tpu.memref_slice %arg7[%multiple_of3A_254, %dma_wait3A_257] : memref<204800x128xf32, #tpu.memory_space<hbm>> -> memref<128x128xf32, #tpu.memory_space<hbm>>
    tpu.wait_dma2 semaphore(%arg24 : memref<!tpu.dma_semaphore, #tpu.memory_space<semaphore_mem>>) src(%arg10 : memref<128x128xf32, #tpu.memory_space<vmem>>) dst(%dma_wait3A_258 : memref<128x128xf32, #tpu.memory_space<hbm>>)
    %add3A_259 = arith.constant 6272 : i32
    %add3A_260 = arith.addi %multiple_of3A, %add3A_259 : i32
    %multiple_of3A_261 = tpu.assume_multiple %add3A_260, 128 : i32
    %dma_wait3A_262 = arith.constant 0 : i32
    %dma_wait3A_263 = tpu.memref_slice %arg7[%multiple_of3A_261, %dma_wait3A_262] : memref<204800x128xf32, #tpu.memory_space<hbm>> -> memref<128x128xf32, #tpu.memory_space<hbm>>
    %dma_wait3A_264 = arith.constant 0 : i32
    %dma_wait3A_265 = tpu.memref_slice %arg7[%multiple_of3A_261, %dma_wait3A_264] : memref<204800x128xf32, #tpu.memory_space<hbm>> -> memref<128x128xf32, #tpu.memory_space<hbm>>
    tpu.wait_dma2 semaphore(%arg25 : memref<!tpu.dma_semaphore, #tpu.memory_space<semaphore_mem>>) src(%arg11 : memref<128x128xf32, #tpu.memory_space<vmem>>) dst(%dma_wait3A_265 : memref<128x128xf32, #tpu.memory_space<hbm>>)
    return
  }
}

</mosaic_0001>

<sc_bundles>
// kernel: kernel.3.cloned.1.call-start
scs
__scs_entry_jumppad:
0x0: {  	(pc) =	sbr.rel $0x88, $3  }
0x1: {  	(tag) =	ssettag $0x0;
	lr =	simm.s32 $0x1  }
0x2: {  	[smem:$0x3F9C] =	sst lr;
	_ =	strace $0xD0000000  }
0x3: {  	_ = 	snop  }
0x4: {  	_ = 	snop  }
0x5: {  	_ = 	snop  }
0x6: {  	_ = 	snop  }
0x7: {  	_ = 	snop  }
__scs_overlays_trampoline_lowered:
0x8: {  	[smem:$0x3FAB] =	sst s0  }
0x9: {  	[smem:$0x3FAC] =	sst s1  }
0xa: {  	[smem:$0x3FAD] =	sst s2  }
0xb: {  	[smem:$0x3FAE] =	sst s3  }
0xc: {  	[smem:$0x3FAF] =	sst s4  }
0xd: {  	[smem:$0x3FB0] =	sst s5  }
0xe: {  	[smem:$0x3FB1] =	sst s6  }
0xf: {  	[smem:$0x3FB2] =	sst s7  }
0x10: {  	[smem:$0x3FB3] =	sst s8  }
0x11: {  	[smem:$0x3FB4] =	sst s9;
	s0 =	simm.s32 @!p0 $0x0  }
0x12: {  	s1 =	sld [smem:$0x3F9A];
	s0 =	simm.s32 @p0 $0x1  }
0x13: {  	[smem:$0x3FB5] =	sst s0;
	s0 =	simm.s32 @!p1 $0x0  }
0x14: {  	s2 =	sld [smem:$0x3F99];
	s0 =	simm.s32 @p1 $0x1  }
0x15: {  	[smem:$0x3FB6] =	sst s0;
	s0 =	simm.s32 @!p2 $0x0  }
0x16: {  	s3 =	sld [smem:$0x3FDB];
	s0 =	simm.s32 @p2 $0x1  }
0x17: {  	s4 =	simm.s32 $0x1BF5;
	[smem:$0x3FB8] =	sst s0  }
0x18: {  	s0 =	sld [smem:$0x3F9B];
	_ =	swait.ge [sflag:s4], $0x0  }
0x19: {  	s7 =	sld [smem:$0x3F9C]  }
0x1a: {  	s8 =	sadd.s32 $0xFFFFE003, lr  }
0x1b: {  	s9 =	sadd.s32 $0xFFFFFEF7, lr;
	s5 =	simm.s32 $0xFFFFFFFF;
	p2 =	slt.u32 s8, $0xFFFFF086  }
0x1c: {  	p1 =	slt.u32 s9, $0xF7A;
	s5 =	simm.s32 @!p2 $0x0  }
0x1d: {  	s5 =	simm.s32 @p1 $0x1;
	p0 =	seq.s32 s7, s2  }
0x1e: {  	s7 =	smul.u32 @!p0 $0xF7A, s2;
	p2 =	seq.s32 @!p0 s5, $0x0  }
0x1f: {  	s9 =	smul.u32 $0xF7A, s1;
	s8 =	simm.s32 @!p0 $0x1BF5;
	p2 =	por !p2, p0  }
0x20: {  	[sflag:s8] =	ssyncset.s32 @!p0 $0xFFFFF086;
	s6 =	sadd.s32 @!p0 s3, s7;
	s7 =	simm.s32 @!p0 $0x108  }
0x21: {  	s3 =	sadd.s32 s3, s9;
	s6 =	sadd.s32 @!p0 $0x88, s6;
	s7 =	simm.s32 @p2 $0x1082  }
0x22: {  	[simem:s7], [sflag:s8] =	dma.local @!p0 [hbm:s6], $0xF7A  }
0x23: {  	s9 =	sor.u32 $0xD0000000, s2;
	s6 =	simm.s32 $0x108;
	_ =	swait.ge @!p0 [sflag:s8], $0x0  }
0x24: {  	s3 =	sadd.s32 $0x88, s3;
	s6 =	simm.s32 @!p1 $0x1082;
	[sflag:s4] =	ssyncset.s32 $0xFFFFF086  }
0x25: {  	[simem:s6], [sflag:s4] =	dma.local [hbm:s3], $0xF7A  }
0x26: {  	[smem:$0x3F9C] =	sst s1;
	(tag) =	ssettag s2;
	_ =	strace s9  }
0x27: {  	s1 =	sld [smem:$0x3FAC]  }
0x28: {  	s2 =	sld [smem:$0x3FAD]  }
0x29: {  	s4 =	sld [smem:$0x3FAF]  }
0x2a: {  	p0 =	seq.s32 s5, $0x0;
	s5 =	sld [smem:$0x3FB0]  }
0x2b: {  	s6 =	sld [smem:$0x3FB1]  }
0x2c: {  	s7 =	sld [smem:$0x3FB2]  }
0x2d: {  	s3 =	simm.s32 $0x108;
	s8 =	sld [smem:$0x3FB3]  }
0x2e: {  	s3 =	simm.s32 @!p0 $0x1082;
	s9 =	sld [smem:$0x3FB4]  }
0x2f: {  	lr =	sadd.s32 s0, s3;
	s0 =	sld [smem:$0x3FAB]  }
0x30: {  	s3 =	sld [smem:$0x3FAE]  }
0x31: {  	[smem:$0x3FB7] =	sst s10  }
0x32: {  	s10 =	sld [smem:$0x3FB5];
	_ =	sdelay $0x3  }
0x33: {  	p0 =	seq.s32 s10, $0x1;
	s10 =	sld [smem:$0x3FB7];
	_ =	sdelay $0x3  }
0x34: {  	[smem:$0x3FB7] =	sst s10  }
0x35: {  	s10 =	sld [smem:$0x3FB6];
	_ =	sdelay $0x3  }
0x36: {  	p1 =	seq.s32 s10, $0x1;
	s10 =	sld [smem:$0x3FB7];
	_ =	sdelay $0x3  }
0x37: {  	[smem:$0x3FB7] =	sst s10  }
0x38: {  	s10 =	sld [smem:$0x3FB8]  }
0x39: {  	_ = 	snop;
	(pc) =	sbr.ind lr, $3  }
0x3a: {  	_ = 	snop  }
0x3b: {  	_ = 	snop  }
0x3c: {  	p2 =	seq.s32 s10, $0x1;
	s10 =	sld [smem:$0x3FB7]  }
0x3d: {  	_ =	shalt  }
0x3e: {  	_ =	shalt  }
0x3f: {  	_ =	shalt  }
0x40: {  	_ =	shalt  }
0x41: {  	_ =	shalt  }
0x42: {  	_ =	shalt  }
0x43: {  	_ =	shalt  }
0x44: {  	_ =	shalt  }
0x45: {  	_ =	shalt  }
0x46: {  	_ =	shalt  }
0x47: {  	_ =	shalt  }
0x48: {  	_ =	shalt  }
0x49: {  	_ =	shalt  }
0x4a: {  	_ =	shalt  }
0x4b: {  	_ =	shalt  }
0x4c: {  	_ =	shalt  }
0x4d: {  	_ =	shalt  }
0x4e: {  	_ =	shalt  }
0x4f: {  	_ =	shalt  }
0x50: {  	_ =	shalt  }
0x51: {  	_ =	shalt  }
0x52: {  	_ =	shalt  }
0x53: {  	_ =	shalt  }
0x54: {  	_ =	shalt  }
0x55: {  	_ =	shalt  }
0x56: {  	_ =	shalt  }
0x57: {  	_ =	shalt  }
0x58: {  	_ =	shalt  }
0x59: {  	_ =	shalt  }
0x5a: {  	_ =	shalt  }
0x5b: {  	_ =	shalt  }
0x5c: {  	_ =	shalt  }
0x5d: {  	_ =	shalt  }
0x5e: {  	_ =	shalt  }
0x5f: {  	_ =	shalt  }
0x60: {  	_ =	shalt  }
0x61: {  	_ =	shalt  }
0x62: {  	_ =	shalt  }
0x63: {  	_ =	shalt  }
0x64: {  	_ =	shalt  }
0x65: {  	_ =	shalt  }
0x66: {  	_ =	shalt  }
0x67: {  	_ =	shalt  }
0x68: {  	_ =	shalt  }
0x69: {  	_ =	shalt  }
0x6a: {  	_ =	shalt  }
0x6b: {  	_ =	shalt  }
0x6c: {  	_ =	shalt  }
0x6d: {  	_ =	shalt  }
0x6e: {  	_ =	shalt  }
0x6f: {  	_ =	shalt  }
0x70: {  	_ =	shalt  }
0x71: {  	_ =	shalt  }
0x72: {  	_ =	shalt  }
0x73: {  	_ =	shalt  }
0x74: {  	_ =	shalt  }
0x75: {  	_ =	shalt  }
0x76: {  	_ =	shalt  }
0x77: {  	_ =	shalt  }
0x78: {  	_ =	shalt  }
0x79: {  	_ =	shalt  }
0x7a: {  	_ =	shalt  }
0x7b: {  	_ =	shalt  }
0x7c: {  	_ =	shalt  }
0x7d: {  	_ =	shalt  }
0x7e: {  	_ =	shalt  }
0x7f: {  	_ =	shalt  }
0x80: {  	_ =	shalt  }
0x81: {  	_ =	shalt  }
0x82: {  	_ =	shalt  }
0x83: {  	_ =	shalt  }
0x84: {  	_ =	shalt  }
0x85: {  	_ =	shalt  }
0x86: {  	_ =	shalt  }
0x87: {  	_ =	shalt  }
.Lfunc_end0:
.L_simem_size_0:
called_computation_lowered:
.L_overlay_start_0:
0x88: {  	s2 =	sld [smem:$0x3FD9]  }
0x89: {  	s3 =	sld [smem:$0x3FFE];
	_ =	sdelay $0x1  }
0x8a: {  	s1 =	srdreg.scid  }
0x8b: {  	s0 =	sand.u32 $0x1, s1  }
0x8c: {  	s17 =	sshll.u32 s0, $0xA;
	s2 =	sadd.s32 s3, s2  }
0x8d: {  	s2 =	sadd.s32 s2, s17  }
0x8e: {  	[smem:$0x3FC3] =	sst s2  }
0x8f: {  	_ = 	snop  }
0x90: {  	s2 =	sld [smem:$0x3FC7]  }
0x91: {  	s18 =	sld [smem:$0x3FC6]  }
0x92: {  	s4 =	sld [smem:$0x3FC5]  }
0x93: {  	s5 =	sld [smem:$0x3FD0];
	(tm) =	ssettm $0x1  }
0x94: {  	s6 =	sld [smem:$0x3FFB];
	_ =	sdelay $0x3  }
0x95: {  	_ =	strace s6  }
0x96: {  	s6 =	sld [smem:$0x3FFC];
	_ =	sdelay $0x3  }
0x97: {  	_ =	strace s6  }
0x98: {  	s6 =	sld [smem:$0x3FFD];
	_ =	sdelay $0x3  }
0x99: {  	_ =	strace s6  }
0x9a: {  	_ =	strace $0x8FFFFFFF  }
0x9b: {  	s19 =	sld [smem:$0x3FDB];
	_ =	sdelay $0x1  }
0x9c: {  	s7 =	simm.s32 $_scs_section_size  }
0x9d: {  	s8 =	simm.s32 $_size__tile_overlayer_lowered;
	s9 =	simm.s32 $_tile_overlayer_lowered  }
0x9e: {  	s22 =	simm.s32 $0x1BFF;
	s21 =	sshll.u32 s9, $0x1;
	s6 =	sadd.s32 s7, s19  }
0x9f: {  	s10 =	simm.s32 $0x0;
	s20 =	sshll.u32 s8, $0x1;
	s8 =	sadd.s32 s21, s6  }
0xa0: {  	[timem:s10], [sflag:s22] =	dma.local [hbm:s8], s20  }
0xa1: {  	_ =	swait.ge [sflag:s22], s20  }
0xa2: {  	s7 =	ssub.s32 $0x0, s20;
	[sflag:s22] =	ssyncset.done $0x0  }
0xa3: {  	[sflag:s22] =	ssyncadd.s32 s7;
	_ =	sdelay $0x1  }
0xa4: {  	s23 =	simm.s32 $0x1B8B  }
0xa5: {  	_ =	swait.ge [sflag:s23], $0x1  }
0xa6: {  	[sflag:s23] =	ssyncset.done $0x0  }
0xa7: {  	s25 =	simm.s32 $0x1B8E;
	s24 =	sld [smem:$0x3FFE];
	[sflag:s23] =	ssyncadd.s32 $0xFFFFFFFF  }
0xa8: {  	s26 =	simm.s32 $execute0_lowered;
	[smem:$0x3FD2] =	sst s25  }
0xa9: {  	s8 =	sshll.u32 s26, $0x1;
	_ =	strace $0x80000046;
	[dreg:$0x1] =	wrdreg $0xFFFFFFFF  }
0xaa: {  	s28 =	simm.s32 $_size_execute0_lowered;
	s6 =	sadd.s32 s6, s8;
	[dreg:$0x0] =	wrdreg $0x0  }
0xab: {  	s8 =	sshll.u32 s28, $0x1;
	[dreg:$0x2] =	wrdreg s6  }
0xac: {  	[dreg:$0x3] =	wrdreg s8  }
0xad: {  	[dreg:$0x4] =	wrdreg $0xC0  }
0xae: {  	_ =	task [dreg:s10], $0x5FFFF  }
0xaf: {  	[dreg:$0x1] =	wrdreg $0xFFFFFFFF  }
0xb0: {  	[dreg:$0x0] =	wrdreg $0x60  }
0xb1: {  	[dreg:$0x2] =	wrdreg s24  }
0xb2: {  	[dreg:$0x3] =	wrdreg s2  }
0xb3: {  	[dreg:$0x4] =	wrdreg s18  }
0xb4: {  	[dreg:$0x5] =	wrdreg s4  }
0xb5: {  	[dreg:$0x6] =	wrdreg s5  }
0xb6: {  	[dreg:$0x7] =	wrdreg $0x139000  }
0xb7: {  	[dreg:$0x8] =	wrdreg $0x9  }
0xb8: {  	_ =	task.clear_ibuf [dreg:s10], $0x9FFFF;
	_ =	strace $0x90000046  }
0xb9: {  	s29 =	simm.s32 $0x9;
	_ =	strace $0x80000048  }
0xba: {  	_ =	swait.ge [sflag:s29], $0x1  }
0xbb: {  	[sflag:s29] =	ssyncadd.s32 $0xFFFFFFFF  }
0xbc: {  	_ =	strace $0x90000048  }
0xbd: {  	_ =	sfence  }
0xbe: {  	s30 =	sld [smem:$0x0];
	_ =	sdelay $0x2  }
0xbf: {  	s31 =	sshll.u32 s1, $0xD;
	s1 =	sshrl.u32 s1, $0x2  }
0xc0: {  	s3 =	sand.u32 $0x4000, s31;
	s1 =	sadd.s32 s1, s30  }
0xc1: {  	s0 =	sor.u32 s3, s0;
	s1 =	sshll.u32 s1, $0x11  }
0xc2: {  	s0 =	sor.u32 s1, s0  }
0xc3: {  	s0 =	sadd.s32 $0x8F2B, s0  }
0xc4: {  	[sflag:s0] =	ssyncadd.remote.s32 $0x1  }
0xc5: {  	_ =	sfence.sel $0xFFFF  }
0xc6: {  	[dreg:$0x0] =	wrdreg $0xFFFFFFFF;
	(pc) =	sbr.abs _section_cstart, $3  }
0xc7: {  	[dreg:$0x1] =	wrdreg $0xFFFFFFFF  }
0xc8: {  	_ =	task.clear_ibuf [dreg:s10], $0x2FFFF;
	_ =	strace $0x9FFFFFFF  }
0xc9: {  	(tm) =	ssettm $0x7FFFFFFF  }
tec
execute0_lowered:
.L_overlay_start_1:
0x0: {  	(tag) =	ssettag $0x1  }
0x1: {  	s1 =	rddreg [dreg:$0x0]  }
0x2: {  	s0 =	rddreg [dreg:$0x1]  }
0x3: {  	s2 =	rddreg [dreg:$0x3]  }
0x4: {  	s3 =	rddreg [dreg:$0x4]  }
0x5: {  	s5 =	srdreg.scid;
	s11 =	stileid.u32  }
0x6: {  	s4 =	rddreg [dreg:$0x5];
	s29 =	simm.s32 $0xB800;
	s30 =	simm.s32 $0x2  }
0x7: {  	s28 =	simm.s32 $0x7;
	s6 =	sand.u32 $0x1, s5;
	s20 =	smul.u32 $0x5000, s11  }
0x8: {  	s7 =	sshll.u32 s11, $0x1;
	s9 =	sadd.s32 $0xFFFFFFFB, s11;
	s23 =	smul.u32 $0x32000, s11  }
0x9: {  	s7 =	sor.u32 s6, s7;
	s10 =	ssub.s32 $0x2, s6;
	s6 =	smul.u32 $0x19000, s6  }
0xa: {  	s31 =	simm.s32 $0xA;
	s9 =	smin.u32 s11, s9;
	s8 =	smul.u32 $0x380, s7  }
0xb: {  	s12 =	simm.s32 $0x0;
	s5 =	simm.s32 $0x0;
	s9 =	smul.u32 $0x280, s9  }
0xc: {  	p0 =	sgt.u32 s11, $0x4;
	[smem:$0x7FF] =	sst s5;
	s21 =	smul.u32 $0xC8000, s7  }
0xd: {  	_ =	strace $0x80000047;
	s17 =	sshrl.u32 s10, $0x1;
	s7 =	smul.u32 $0x19000, s7  }
0xe: {  	s1 =	sadd.s32 s8, s1;
	s8 =	ssub.s32 s10, s17;
	s19 =	sadd.s32 s2, s9  }
0xf: {  	s9 =	simm.s32 $0x80;
	s10 =	simm.s32 $0x80;
	s22 =	sshrl.u32 s21, $0x3  }
0x10: {  	s7 =	sadd.s32 s3, s7;
	s2 =	sadd.s32 s23, s3;
	s21 =	simm.s32 $0x3800  }
0x11: {  	s23 =	simm.s32 $0x1C00;
	s18 =	sadd.s32 $0x400, s1;
	[dreg:$0x9] =	wrdreg s19  }
0x12: {  	s1 =	sadd.s32 $0x7400, s1;
	s10 =	simm.s32 @!p0 $0x0;
	[dreg:$0xb] =	wrdreg s7  }
0x13: {  	s2 =	sadd.s32 s6, s2;
	p0 =	sgt.u32 s11, $0x9;
	s11 =	simm.s32 $0x4  }
0x14: {  	s6 =	simm.s32 $0xB;
	s7 =	simm.s32 $0xC;
	[dreg:$0x7] =	wrdreg s18  }
0x15: {  	[dreg:$0x8] =	wrdreg s1;
	s1 =	sshra.s32 s20, $0x2;
	s18 =	smax.u32 s8, $0x1  }
0x16: {  	s19 =	sadd.s32 $0x2000, s2;
	s20 =	simm.s32 $0xD;
	s1 =	sadd.s32 s1, s4  }
0x17: {  	s2 =	simm.s32 $0x3;
	[dreg:$0xa] =	wrdreg s1;
	s1 =	sadd.s32 s3, s22  }
0x18: {  	s8 =	simm.s32 $0x9;
	s22 =	simm.s32 $0x7800;
	s24 =	sadd.s32 $0x16800, s1  }
0x19: {  	s3 =	simm.s32 $0x5;
	s25 =	sadd.s32 $0x17000, s1;
	[dreg:$0xc] =	wrdreg s24  }
0x1a: {  	s26 =	sadd.s32 $0x17800, s1;
	s16 =	sadd.s32 $0x18000, s1;
	[dreg:$0xd] =	wrdreg s25  }
0x1b: {  	s17 =	sadd.s32 $0x18800, s1;
	s1 =	simm.s32 $0x8;
	[dreg:$0xe] =	wrdreg s26  }
0x1c: {  	s25 =	simm.s32 $0xF800;
	s26 =	simm.s32 $0x1;
	s24 =	simm.s32 $0x6  }
.LBB2_1:
0x1d: {  	s13 =	rddreg [dreg:$0x7]  }
0x1e: {  	[tilespmem:s5], [sflag:$0xD] =	stream.linear.gather [hbm4b:s13+s5], $0x1900, $0x38;
	[tilespmem:$0x14580] =	vst v63  }
0x1f: {  	_ =	swait.ge [sflag:s20], $0x1900  }
0x20: {  	[sflag:s20] =	ssyncset.done $0x0  }
0x21: {  	[sflag:s20] =	ssyncadd.s32 $0xFFFFE700  }
0x22: {  	[tilespmem:s21], [sflag:$0x1] =	stream.indirect.gather [hbm4b:s0+s9], $0x80, s5, s9, $0xb8;
	[tilespmem:$0x14580] =	vst v63  }
0x23: {  	_ = 	snop  }
0x24: {  	[tilespmem:s22], [sflag:$0x2] =	stream.indirect.gather [hbm4b:s0+s9], $0x80, s9, s9, $0xb8;
	[tilespmem:$0x14580] =	vst v63  }
.Ltmp0:
0x25: {  	s15 =	rddreg [dreg:$0x8];
	(pc) =	sbr.rel @p0 .LBB2_5-.Ltmp0, $4  }
0x26: {  	[tilespmem:s23], [sflag:$0xD] =	stream.linear.gather [hbm4b:s15+s5], $0x1900, $0x38;
	[tilespmem:$0x14580] =	vst v63  }
0x27: {  	_ =	swait.ge [sflag:s20], $0x1900  }
0x28: {  	[sflag:s20] =	ssyncset.done $0x0  }
0x29: {  	[sflag:s20] =	ssyncadd.s32 $0xFFFFE700  }
0x2a: {  	s13 =	simm.s32 $0x0;
	s14 =	rddreg [dreg:$0x2];
	s15 =	simm.s32 $0x13800  }
0x2b: {  	[tilespmem:s15], [sflag:$0xD] =	stream.linear.gather [hbm4b:s14+s13], $0x100, $0x38;
	[tilespmem:$0x14580] =	vst v63  }
0x2c: {  	_ =	swait.ge [sflag:s20], $0x100  }
0x2d: {  	[sflag:s20] =	ssyncset.done $0x0  }
0x2e: {  	s15 =	rddreg [dreg:$0x9];
	[sflag:s20] =	ssyncadd.s32 $0xFFFFFF00  }
0x2f: {  	[tilespmem:s25], [sflag:$0xD] =	stream.linear.gather [hbm4b:s15+s13], $0x1400, $0x38;
	[tilespmem:$0x14580] =	vst v63  }
0x30: {  	_ =	swait.ge [sflag:s20], $0x1400  }
0x31: {  	[sflag:s20] =	ssyncset.done $0x0  }
0x32: {  	s13 =	simm.s32 $0x0;
	[sflag:s20] =	ssyncadd.s32 $0xFFFFEC00  }
0x33: {  	s14 =	simm.s32 $0x200;
	v0 =	vld [tilespmem:s13+$0xF800]  }
.LBB2_3:
0x34: {  	p1 =	sne.s32 s14, $0x4E00;
	v1 =	vld [tilespmem:s10+$0x13800];
	_ =	sdelay $0x4  }
0x35: {  	v0 =	vadd.f32 v1, v0;
	_ =	sdelay $0x1  }
0x36: {  	[tilespmem:s13+$0xF800] =	vst v0;
	v0 =	vld [tilespmem:s13+$0xF810]  }
0x37: {  	v1 =	vld [tilespmem:s10+$0x13810];
	_ =	sdelay $0x4  }
0x38: {  	v0 =	vadd.f32 v1, v0;
	_ =	sdelay $0x1  }
0x39: {  	[tilespmem:s13+$0xF810] =	vst v0;
	v0 =	vld [tilespmem:s13+$0xF820]  }
0x3a: {  	v1 =	vld [tilespmem:s10+$0x13820];
	_ =	sdelay $0x4  }
0x3b: {  	v0 =	vadd.f32 v1, v0;
	_ =	sdelay $0x1  }
0x3c: {  	[tilespmem:s13+$0xF820] =	vst v0;
	v0 =	vld [tilespmem:s13+$0xF830]  }
0x3d: {  	v1 =	vld [tilespmem:s10+$0x13830];
	_ =	sdelay $0x4  }
0x3e: {  	v0 =	vadd.f32 v1, v0;
	_ =	sdelay $0x1  }
0x3f: {  	[tilespmem:s13+$0xF830] =	vst v0;
	v0 =	vld [tilespmem:s13+$0xF840]  }
0x40: {  	v1 =	vld [tilespmem:s10+$0x13840];
	_ =	sdelay $0x4  }
0x41: {  	v0 =	vadd.f32 v1, v0;
	_ =	sdelay $0x1  }
0x42: {  	[tilespmem:s13+$0xF840] =	vst v0;
	v0 =	vld [tilespmem:s13+$0xF850]  }
0x43: {  	v1 =	vld [tilespmem:s10+$0x13850];
	_ =	sdelay $0x4  }
0x44: {  	v0 =	vadd.f32 v1, v0;
	_ =	sdelay $0x1  }
0x45: {  	[tilespmem:s13+$0xF850] =	vst v0;
	v0 =	vld [tilespmem:s13+$0xF860]  }
0x46: {  	v1 =	vld [tilespmem:s10+$0x13860];
	_ =	sdelay $0x4  }
0x47: {  	v0 =	vadd.f32 v1, v0;
	_ =	sdelay $0x1  }
0x48: {  	[tilespmem:s13+$0xF860] =	vst v0;
	v0 =	vld [tilespmem:s13+$0xF870]  }
0x49: {  	v1 =	vld [tilespmem:s10+$0x13870];
	_ =	sdelay $0x2  }
.Ltmp1:
0x4a: {  	(pc) =	sbr.rel @p1 .LBB2_3-.Ltmp1, $4  }
0x4b: {  	_ = 	snop  }
0x4c: {  	v1 =	vadd.f32 v1, v0  }
0x4d: {  	s15 =	sshra.s32 s14, $0x2  }
0x4e: {  	s14 =	sadd.s32 $0x200, s14;
	v0 =	vld [tilespmem:s15+$0xF800];
	[tilespmem:s13+$0xF870] =	vst v1;
	s13 =	smov.u32 s15  }
0x4f: {  	v1 =	vld [tilespmem:s10+$0x13800];
	_ =	sdelay $0x4  }
0x50: {  	v0 =	vadd.f32 v1, v0;
	_ =	sdelay $0x1  }
0x51: {  	v50 =	vld [tilespmem:s13+$0xF810];
	[tilespmem:s13+$0xF800] =	vst v0  }
0x52: {  	v51 =	vld [tilespmem:s10+$0x13810];
	_ =	sdelay $0x4  }
0x53: {  	v0 =	vadd.f32 v51, v50;
	_ =	sdelay $0x1  }
0x54: {  	v52 =	vld [tilespmem:s13+$0xF820];
	[tilespmem:s13+$0xF810] =	vst v0  }
0x55: {  	v53 =	vld [tilespmem:s10+$0x13820];
	_ =	sdelay $0x4  }
0x56: {  	v0 =	vadd.f32 v53, v52;
	_ =	sdelay $0x1  }
0x57: {  	v54 =	vld [tilespmem:s13+$0xF830];
	[tilespmem:s13+$0xF820] =	vst v0  }
0x58: {  	v55 =	vld [tilespmem:s10+$0x13830];
	_ =	sdelay $0x4  }
0x59: {  	v0 =	vadd.f32 v55, v54;
	_ =	sdelay $0x1  }
0x5a: {  	v56 =	vld [tilespmem:s13+$0xF840];
	[tilespmem:s13+$0xF830] =	vst v0  }
0x5b: {  	v57 =	vld [tilespmem:s10+$0x13840];
	_ =	sdelay $0x4  }
0x5c: {  	v0 =	vadd.f32 v57, v56;
	_ =	sdelay $0x1  }
0x5d: {  	v58 =	vld [tilespmem:s13+$0xF850];
	[tilespmem:s13+$0xF840] =	vst v0  }
0x5e: {  	v59 =	vld [tilespmem:s10+$0x13850];
	_ =	sdelay $0x4  }
0x5f: {  	v0 =	vadd.f32 v59, v58;
	_ =	sdelay $0x1  }
0x60: {  	v60 =	vld [tilespmem:s13+$0xF860];
	[tilespmem:s13+$0xF850] =	vst v0  }
0x61: {  	v61 =	vld [tilespmem:s10+$0x13860];
	_ =	sdelay $0x4  }
0x62: {  	v0 =	vadd.f32 v61, v60;
	_ =	sdelay $0x1  }
0x63: {  	v62 =	vld [tilespmem:s13+$0xF870];
	[tilespmem:s13+$0xF860] =	vst v0  }
0x64: {  	v63 =	vld [tilespmem:s10+$0x13870];
	_ =	sdelay $0x4  }
0x65: {  	v0 =	vadd.f32 v63, v62;
	_ =	sdelay $0x1  }
0x66: {  	s15 =	rddreg [dreg:$0xa];
	[tilespmem:s13+$0xF870] =	vst v0  }
0x67: {  	[spmem:s15] =	stream.linear.scatter [tilespmem:s25], [sflag:$0xD], $0x1400, $0x38;
	[tilespmem:$0x14580] =	vst v63  }
0x68: {  	_ =	swait.ge [sflag:s20], $0x1400  }
0x69: {  	[sflag:s20] =	ssyncset.done $0x0  }
0x6a: {  	[sflag:s20] =	ssyncadd.s32 $0xFFFFEC00  }
.LBB2_5:
0x6b: {  	s13 =	simm.s32 $0x0  }
0x6c: {  	v0 =	vld [tilespmem:s13+$0x1C00];
	_ =	sdelay $0x2  }
0x6d: {  	v1 =	vld [tilespmem:s13+$0x1C10];
	_ =	sdelay $0x1  }
0x6e: {  	v3 =	vmul.u32 $0xC8, v0  }
0x6f: {  	v2 =	vlaneseq.u32;
	v0 =	vld [tilespmem:s13+$0x1C20]  }
0x70: {  	s14 =	simm.s32 $0x200;
	v4 =	vadd.s32 v2, v3;
	v3 =	vadd.s32 $0x10, v2  }
.LBB2_6:
0x71: {  	p1 =	sne.s32 s14, $0x6200;
	[tilespmem:s13+$0x1C00] =	vst v4;
	vm0 =	vgt.s32 v3, $0xC7;
	v2 =	vadd.s32 $0xFFFFFF48, v2;
	v1 =	vmul.u32 $0xC8, v1  }
0x72: {  	v2 =	vsel vm0, v2, v3;
	v3 =	vld [tilespmem:s13+$0x1C30]  }
0x73: {  	v1 =	vadd.s32 v2, v1;
	v4 =	vadd.s32 $0x10, v2  }
0x74: {  	[tilespmem:s13+$0x1C10] =	vst v1;
	vm0 =	vgt.s32 v4, $0xC7;
	v1 =	vadd.s32 $0xFFFFFF48, v2;
	v0 =	vmul.u32 $0xC8, v0  }
0x75: {  	v1 =	vsel vm0, v1, v4;
	v2 =	vld [tilespmem:s13+$0x1C40]  }
0x76: {  	v0 =	vadd.s32 v1, v0;
	v4 =	vadd.s32 $0x10, v1  }
0x77: {  	[tilespmem:s13+$0x1C20] =	vst v0;
	vm0 =	vgt.s32 v4, $0xC7;
	v0 =	vadd.s32 $0xFFFFFF48, v1;
	v1 =	vmul.u32 $0xC8, v3  }
0x78: {  	v0 =	vsel vm0, v0, v4;
	v3 =	vld [tilespmem:s13+$0x1C50]  }
0x79: {  	v1 =	vadd.s32 v0, v1;
	v4 =	vadd.s32 $0x10, v0  }
0x7a: {  	v0 =	vadd.s32 $0xFFFFFF48, v0;
	[tilespmem:s13+$0x1C30] =	vst v1;
	vm0 =	vgt.s32 v4, $0xC7;
	v1 =	vmul.u32 $0xC8, v2  }
0x7b: {  	v0 =	vsel vm0, v0, v4;
	v2 =	vld [tilespmem:s13+$0x1C60]  }
0x7c: {  	v1 =	vadd.s32 v0, v1;
	v4 =	vadd.s32 $0x10, v0  }
0x7d: {  	v0 =	vadd.s32 $0xFFFFFF48, v0;
	[tilespmem:s13+$0x1C40] =	vst v1;
	vm0 =	vgt.s32 v4, $0xC7;
	v1 =	vmul.u32 $0xC8, v3  }
0x7e: {  	v0 =	vsel vm0, v0, v4;
	v3 =	vld [tilespmem:s13+$0x1C70]  }
0x7f: {  	v1 =	vadd.s32 v0, v1;
	v4 =	vadd.s32 $0x10, v0  }
0x80: {  	s15 =	sshra.s32 s14, $0x2;
	v0 =	vadd.s32 $0xFFFFFF48, v0;
	[tilespmem:s13+$0x1C50] =	vst v1;
	vm0 =	vgt.s32 v4, $0xC7;
	v1 =	vmul.u32 $0xC8, v2  }
0x81: {  	v2 =	vld [tilespmem:s15+$0x1C00];
	v0 =	vsel vm0, v0, v4  }
0x82: {  	v1 =	vadd.s32 v0, v1;
	v4 =	vadd.s32 $0x10, v0  }
0x83: {  	v0 =	vadd.s32 $0xFFFFFF48, v0;
	[tilespmem:s13+$0x1C60] =	vst v1;
	vm0 =	vgt.s32 v4, $0xC7;
	v3 =	vmul.u32 $0xC8, v3  }
.Ltmp2:
0x84: {  	v1 =	vld [tilespmem:s15+$0x1C10];
	v0 =	vsel vm0, v0, v4;
	(pc) =	sbr.rel @p1 .LBB2_6-.Ltmp2, $4  }
0x85: {  	v3 =	vadd.s32 v0, v3;
	v4 =	vadd.s32 $0x10, v0  }
0x86: {  	v5 =	vmul.u32 $0xC8, v2;
	[tilespmem:s13+$0x1C70] =	vst v3;
	vm0 =	vgt.s32 v4, $0xC7;
	v2 =	vadd.s32 $0xFFFFFF48, v0;
	s13 =	smov.u32 s15  }
0x87: {  	v0 =	vld [tilespmem:s13+$0x1C20];
	v2 =	vsel vm0, v2, v4  }
0x88: {  	s14 =	sadd.s32 $0x200, s14;
	v4 =	vadd.s32 v2, v5;
	v3 =	vadd.s32 $0x10, v2  }
0x89: {  	vm0 =	vgt.s32 v3, $0xC7;
	v2 =	vadd.s32 $0xFFFFFF48, v2  }
0x8a: {  	v1 =	vmul.u32 $0xC8, v1;
	v2 =	vsel vm0, v2, v3  }
0x8b: {  	v49 =	vadd.s32 $0x10, v2  }
0x8c: {  	v48 =	vld [tilespmem:s13+$0x1C30];
	v1 =	vadd.s32 v2, v1;
	v50 =	vadd.s32 $0xFFFFFF48, v2;
	vm10 =	vgt.s32 v49, $0xC7  }
0x8d: {  	[tilespmem:s13+$0x1C10] =	vst v1;
	v1 =	vsel vm10, v50, v49  }
0x8e: {  	[tilespmem:s13+$0x1C00] =	vst v4;
	v4 =	vadd.s32 $0x10, v1  }
0x8f: {  	v5 =	vadd.s32 $0xFFFFFF48, v1;
	vm11 =	vgt.s32 v4, $0xC7  }
0x90: {  	v0 =	vmul.u32 $0xC8, v0;
	v52 =	vsel vm11, v5, v4  }
0x91: {  	v3 =	vmul.u32 $0xC8, v48;
	v54 =	vadd.s32 $0x10, v52  }
0x92: {  	v51 =	vld [tilespmem:s13+$0x1C40];
	v0 =	vadd.s32 v1, v0;
	v1 =	vadd.s32 $0xFFFFFF48, v52;
	vm12 =	vgt.s32 v54, $0xC7  }
0x93: {  	v55 =	vld [tilespmem:s13+$0x1C50];
	v56 =	vsel vm12, v1, v54  }
0x94: {  	v57 =	vld [tilespmem:s13+$0x1C60];
	v53 =	vadd.s32 v52, v3;
	v3 =	vadd.s32 $0x10, v56  }
0x95: {  	v58 =	vld [tilespmem:s13+$0x1C70];
	[tilespmem:s13+$0x1C20] =	vst v0;
	v0 =	vadd.s32 $0xFFFFFF48, v56;
	vm13 =	vgt.s32 v3, $0xC7  }
0x96: {  	v0 =	vsel vm13, v0, v3  }
0x97: {  	v2 =	vmul.u32 $0xC8, v51;
	v3 =	vadd.s32 $0x10, v0  }
0x98: {  	v59 =	vadd.s32 $0xFFFFFF48, v0;
	vm14 =	vgt.s32 v3, $0xC7  }
0x99: {  	v4 =	vmul.u32 $0xC8, v55;
	v2 =	vadd.s32 v56, v2;
	v3 =	vsel vm14, v59, v3  }
0x9a: {  	v1 =	vmul.u32 $0xC8, v57;
	[tilespmem:s13+$0x1C40] =	vst v2;
	v2 =	vmul.u32 $0xC8, v58;
	v60 =	vadd.s32 $0x10, v3  }
0x9b: {  	[tilespmem:s13+$0x1C30] =	vst v53;
	v0 =	vadd.s32 v0, v4;
	v5 =	vadd.s32 $0xFFFFFF48, v3;
	vm15 =	vgt.s32 v60, $0xC7  }
0x9c: {  	[tilespmem:s13+$0x1C50] =	vst v0;
	v61 =	vadd.s32 v3, v1;
	v62 =	vsel vm15, v5, v60  }
0x9d: {  	[tilespmem:s13+$0x1C60] =	vst v61;
	v63 =	vadd.s32 v62, v2  }
0x9e: {  	[tilespmem:s13+$0x1C70] =	vst v63  }
0x9f: {  	[bflag:$0x0] =	sbarrier.arrive $0xFFFF  }
0xa0: {  	_ =	swait.ge [sflag:s26], $0x4000  }
0xa1: {  	[sflag:s26] =	ssyncset.done $0x0  }
0xa2: {  	[sflag:s26] =	ssyncadd.s32 $0xFFFFC000  }
0xa3: {  	[tilespmem:s21], [sflag:$0x5] =	stream.indirect.gather.add.f32 [spmem:s4], $0x80, s23, s9, $0xb8;
	[tilespmem:$0x14580] =	vst v63  }
0xa4: {  	s14 =	simm.s32 $0x100  }
0xa5: {  	[tilespmem:s29], [sflag:$0x3] =	stream.indirect.gather [hbm4b:s0+s9], $0x80, s14, s9, $0xb8;
	[tilespmem:$0x14580] =	vst v63  }
0xa6: {  	_ =	swait.ge [sflag:s30], $0x4000  }
0xa7: {  	[sflag:s30] =	ssyncset.done $0x0  }
0xa8: {  	s15 =	simm.s32 $0x1C80;
	[sflag:s30] =	ssyncadd.s32 $0xFFFFC000  }
0xa9: {  	[tilespmem:s22], [sflag:$0x6] =	stream.indirect.gather.add.f32 [spmem:s4], $0x80, s15, s9, $0xb8;
	[tilespmem:$0x14580] =	vst v63  }
0xaa: {  	_ =	swait.ge [sflag:s3], $0x4000  }
0xab: {  	[sflag:s3] =	ssyncset.done $0x0  }
0xac: {  	s23 =	simm.s32 $0x0;
	s14 =	rddreg [dreg:$0xb];
	[sflag:s3] =	ssyncadd.s32 $0xFFFFC000  }
0xad: {  	[hbm4b:s14+s23] =	stream.linear.scatter [tilespmem:s21], [sflag:$0x9], $0x4000, $0x38;
	[tilespmem:$0x14580] =	vst v63  }
0xae: {  	s15 =	simm.s32 $0x180  }
0xaf: {  	[tilespmem:s25], [sflag:$0x4] =	stream.indirect.gather [hbm4b:s0+s9], $0x80, s15, s9, $0xb8;
	[tilespmem:$0x14580] =	vst v63  }
0xb0: {  	_ =	swait.ge [sflag:s2], $0x4000  }
0xb1: {  	[sflag:s2] =	ssyncset.done $0x0  }
0xb2: {  	s23 =	simm.s32 $0x1D00;
	[sflag:s2] =	ssyncadd.s32 $0xFFFFC000  }
0xb3: {  	[tilespmem:s29], [sflag:$0x7] =	stream.indirect.gather.add.f32 [spmem:s4], $0x80, s23, s9, $0xb8;
	[tilespmem:$0x14580] =	vst v63  }
0xb4: {  	_ =	swait.ge [sflag:s24], $0x4000  }
0xb5: {  	[sflag:s24] =	ssyncset.done $0x0  }
0xb6: {  	s14 =	sadd.s32 $0xFFFFE800, s19;
	[sflag:s24] =	ssyncadd.s32 $0xFFFFC000  }
0xb7: {  	[hbm4b:s14+s5] =	stream.linear.scatter [tilespmem:s22], [sflag:$0xA], $0x4000, $0x38;
	[tilespmem:$0x14580] =	vst v63  }
0xb8: {  	_ =	swait.ge [sflag:s8], $0x4000  }
0xb9: {  	[sflag:s8] =	ssyncset.done $0x0  }
0xba: {  	s15 =	simm.s32 $0x200;
	[sflag:s8] =	ssyncadd.s32 $0xFFFFC000  }
0xbb: {  	[tilespmem:s21], [sflag:$0x1] =	stream.indirect.gather [hbm4b:s0+s9], $0x80, s15, s9, $0xb8;
	[tilespmem:$0x14580] =	vst v63  }
0xbc: {  	_ =	swait.ge [sflag:s11], $0x4000  }
0xbd: {  	[sflag:s11] =	ssyncset.done $0x0  }
0xbe: {  	s23 =	simm.s32 $0x1D80;
	[sflag:s11] =	ssyncadd.s32 $0xFFFFC000  }
0xbf: {  	[tilespmem:s25], [sflag:$0x8] =	stream.indirect.gather.add.f32 [spmem:s4], $0x80, s23, s9, $0xb8;
	[tilespmem:$0x14580] =	vst v63  }
0xc0: {  	_ =	swait.ge [sflag:s28], $0x4000  }
0xc1: {  	[sflag:s28] =	ssyncset.done $0x0  }
0xc2: {  	s14 =	sadd.s32 $0xFFFFF000, s19;
	[sflag:s28] =	ssyncadd.s32 $0xFFFFC000  }
0xc3: {  	[hbm4b:s14+s5] =	stream.linear.scatter [tilespmem:s29], [sflag:$0xB], $0x4000, $0x38;
	[tilespmem:$0x14580] =	vst v63  }
0xc4: {  	_ =	swait.ge [sflag:s31], $0x4000  }
0xc5: {  	[sflag:s31] =	ssyncset.done $0x0  }
0xc6: {  	s15 =	simm.s32 $0x280;
	[sflag:s31] =	ssyncadd.s32 $0xFFFFC000  }
0xc7: {  	[tilespmem:s22], [sflag:$0x2] =	stream.indirect.gather [hbm4b:s0+s9], $0x80, s15, s9, $0xb8;
	[tilespmem:$0x14580] =	vst v63  }
0xc8: {  	_ =	swait.ge [sflag:s26], $0x4000  }
0xc9: {  	[sflag:s26] =	ssyncset.done $0x0  }
0xca: {  	s23 =	simm.s32 $0x1E00;
	[sflag:s26] =	ssyncadd.s32 $0xFFFFC000  }
0xcb: {  	[tilespmem:s21], [sflag:$0x5] =	stream.indirect.gather.add.f32 [spmem:s4], $0x80, s23, s9, $0xb8;
	[tilespmem:$0x14580] =	vst v63  }
0xcc: {  	_ =	swait.ge [sflag:s1], $0x4000  }
0xcd: {  	[sflag:s1] =	ssyncset.done $0x0  }
0xce: {  	s14 =	sadd.s32 $0xFFFFF800, s19;
	[sflag:s1] =	ssyncadd.s32 $0xFFFFC000  }
0xcf: {  	[hbm4b:s14+s5] =	stream.linear.scatter [tilespmem:s25], [sflag:$0xC], $0x4000, $0x38;
	[tilespmem:$0x14580] =	vst v63  }
0xd0: {  	_ =	swait.ge [sflag:s6], $0x4000  }
0xd1: {  	[sflag:s6] =	ssyncset.done $0x0  }
0xd2: {  	s15 =	simm.s32 $0x300;
	[sflag:s6] =	ssyncadd.s32 $0xFFFFC000  }
0xd3: {  	[tilespmem:s29], [sflag:$0x3] =	stream.indirect.gather [hbm4b:s0+s9], $0x80, s15, s9, $0xb8;
	[tilespmem:$0x14580] =	vst v63  }
0xd4: {  	_ =	swait.ge [sflag:s30], $0x4000  }
0xd5: {  	[sflag:s30] =	ssyncset.done $0x0  }
0xd6: {  	s23 =	simm.s32 $0x1E80;
	[sflag:s30] =	ssyncadd.s32 $0xFFFFC000  }
0xd7: {  	[tilespmem:s22], [sflag:$0x6] =	stream.indirect.gather.add.f32 [spmem:s4], $0x80, s23, s9, $0xb8;
	[tilespmem:$0x14580] =	vst v63  }
0xd8: {  	_ =	swait.ge [sflag:s3], $0x4000  }
0xd9: {  	[sflag:s3] =	ssyncset.done $0x0  }
0xda: {  	[sflag:s3] =	ssyncadd.s32 $0xFFFFC000  }
0xdb: {  	[hbm4b:s19+s5] =	stream.linear.scatter [tilespmem:s21], [sflag:$0x9], $0x4000, $0x38;
	[tilespmem:$0x14580] =	vst v63  }
0xdc: {  	_ =	swait.ge [sflag:s7], $0x4000  }
0xdd: {  	s13 =	simm.s32 $0x800;
	[sflag:s7] =	ssyncset.done $0x0  }
0xde: {  	s14 =	sadd.s32 $0x2000, s19;
	s15 =	simm.s32 $0x380;
	[sflag:s7] =	ssyncadd.s32 $0xFFFFC000  }
.LBB2_8:
0xdf: {  	[tilespmem:s25], [sflag:$0x4] =	stream.indirect.gather [hbm4b:s0+s9], $0x80, s15, s9, $0xb8;
	[tilespmem:$0x14580] =	vst v63  }
0xe0: {  	s15 =	smov.u32 s13  }
0xe1: {  	p1 =	sne.s32 s13, $0x5000;
	s13 =	sadd.s32 $0x800, s13;
	_ =	swait.ge [sflag:s2], $0x4000  }
0xe2: {  	s15 =	sshra.s32 s15, $0x2;
	[sflag:s2] =	ssyncset.done $0x0  }
0xe3: {  	s23 =	sadd.s32 $0x1D00, s15;
	[sflag:s2] =	ssyncadd.s32 $0xFFFFC000  }
0xe4: {  	[tilespmem:s29], [sflag:$0x7] =	stream.indirect.gather.add.f32 [spmem:s4], $0x80, s23, s9, $0xb8;
	[tilespmem:$0x14580] =	vst v63  }
0xe5: {  	_ =	swait.ge [sflag:s24], $0x4000  }
0xe6: {  	[sflag:s24] =	ssyncset.done $0x0  }
0xe7: {  	s23 =	sadd.s32 $0xFFFFE800, s14;
	[sflag:s24] =	ssyncadd.s32 $0xFFFFC000  }
0xe8: {  	[hbm4b:s23+s5] =	stream.linear.scatter [tilespmem:s22], [sflag:$0xA], $0x4000, $0x38;
	[tilespmem:$0x14580] =	vst v63  }
0xe9: {  	_ =	swait.ge [sflag:s8], $0x4000  }
0xea: {  	[sflag:s8] =	ssyncset.done $0x0  }
0xeb: {  	s23 =	sadd.s32 $0x200, s15;
	[sflag:s8] =	ssyncadd.s32 $0xFFFFC000  }
0xec: {  	[tilespmem:s21], [sflag:$0x1] =	stream.indirect.gather [hbm4b:s0+s9], $0x80, s23, s9, $0xb8;
	[tilespmem:$0x14580] =	vst v63  }
0xed: {  	_ =	swait.ge [sflag:s11], $0x4000  }
0xee: {  	[sflag:s11] =	ssyncset.done $0x0  }
0xef: {  	s23 =	sadd.s32 $0x1D80, s15;
	[sflag:s11] =	ssyncadd.s32 $0xFFFFC000  }
0xf0: {  	[tilespmem:s25], [sflag:$0x8] =	stream.indirect.gather.add.f32 [spmem:s4], $0x80, s23, s9, $0xb8;
	[tilespmem:$0x14580] =	vst v63  }
0xf1: {  	_ =	swait.ge [sflag:s28], $0x4000  }
0xf2: {  	[sflag:s28] =	ssyncset.done $0x0  }
0xf3: {  	s23 =	sadd.s32 $0xFFFFF000, s14;
	[sflag:s28] =	ssyncadd.s32 $0xFFFFC000  }
0xf4: {  	[hbm4b:s23+s5] =	stream.linear.scatter [tilespmem:s29], [sflag:$0xB], $0x4000, $0x38;
	[tilespmem:$0x14580] =	vst v63  }
0xf5: {  	_ =	swait.ge [sflag:s31], $0x4000  }
0xf6: {  	[sflag:s31] =	ssyncset.done $0x0  }
0xf7: {  	s23 =	sadd.s32 $0x280, s15;
	[sflag:s31] =	ssyncadd.s32 $0xFFFFC000  }
0xf8: {  	[tilespmem:s22], [sflag:$0x2] =	stream.indirect.gather [hbm4b:s0+s9], $0x80, s23, s9, $0xb8;
	[tilespmem:$0x14580] =	vst v63  }
0xf9: {  	_ =	swait.ge [sflag:s26], $0x4000  }
0xfa: {  	[sflag:s26] =	ssyncset.done $0x0  }
0xfb: {  	s23 =	sadd.s32 $0x1E00, s15;
	[sflag:s26] =	ssyncadd.s32 $0xFFFFC000  }
0xfc: {  	[tilespmem:s21], [sflag:$0x5] =	stream.indirect.gather.add.f32 [spmem:s4], $0x80, s23, s9, $0xb8;
	[tilespmem:$0x14580] =	vst v63  }
0xfd: {  	_ =	swait.ge [sflag:s1], $0x4000  }
0xfe: {  	[sflag:s1] =	ssyncset.done $0x0  }
0xff: {  	s23 =	sadd.s32 $0xFFFFF800, s14;
	[sflag:s1] =	ssyncadd.s32 $0xFFFFC000  }
0x100: {  	[hbm4b:s23+s5] =	stream.linear.scatter [tilespmem:s25], [sflag:$0xC], $0x4000, $0x38;
	[tilespmem:$0x14580] =	vst v63  }
0x101: {  	_ =	swait.ge [sflag:s6], $0x4000  }
0x102: {  	[sflag:s6] =	ssyncset.done $0x0  }
0x103: {  	s23 =	sadd.s32 $0x300, s15;
	[sflag:s6] =	ssyncadd.s32 $0xFFFFC000  }
0x104: {  	[tilespmem:s29], [sflag:$0x3] =	stream.indirect.gather [hbm4b:s0+s9], $0x80, s23, s9, $0xb8;
	[tilespmem:$0x14580] =	vst v63  }
0x105: {  	_ =	swait.ge [sflag:s30], $0x4000  }
0x106: {  	[sflag:s30] =	ssyncset.done $0x0  }
0x107: {  	s23 =	sadd.s32 $0x1E80, s15;
	[sflag:s30] =	ssyncadd.s32 $0xFFFFC000  }
0x108: {  	[tilespmem:s22], [sflag:$0x6] =	stream.indirect.gather.add.f32 [spmem:s4], $0x80, s23, s9, $0xb8;
	[tilespmem:$0x14580] =	vst v63  }
0x109: {  	_ =	swait.ge [sflag:s3], $0x4000  }
0x10a: {  	[sflag:s3] =	ssyncset.done $0x0  }
.Ltmp3:
0x10b: {  	[sflag:s3] =	ssyncadd.s32 $0xFFFFC000;
	(pc) =	sbr.rel @p1 .LBB2_8-.Ltmp3, $4  }
0x10c: {  	[hbm4b:s14+s5] =	stream.linear.scatter [tilespmem:s21], [sflag:$0x9], $0x4000, $0x38;
	[tilespmem:$0x14580] =	vst v63  }
0x10d: {  	_ =	swait.ge [sflag:s7], $0x4000  }
0x10e: {  	[sflag:s7] =	ssyncset.done $0x0  }
0x10f: {  	s15 =	sadd.s32 $0x380, s15;
	s14 =	sadd.s32 $0x2000, s14;
	[sflag:s7] =	ssyncadd.s32 $0xFFFFC000  }
0x110: {  	[tilespmem:s25], [sflag:$0x4] =	stream.indirect.gather [hbm4b:s0+s9], $0x80, s15, s9, $0xb8;
	[tilespmem:$0x14580] =	vst v63  }
0x111: {  	_ =	swait.ge [sflag:s2], $0x4000  }
0x112: {  	[sflag:s2] =	ssyncset.done $0x0  }
0x113: {  	s13 =	simm.s32 $0x3300;
	[sflag:s2] =	ssyncadd.s32 $0xFFFFC000  }
0x114: {  	[tilespmem:s29], [sflag:$0x7] =	stream.indirect.gather.add.f32 [spmem:s4], $0x80, s13, s9, $0xb8;
	[tilespmem:$0x14580] =	vst v63  }
0x115: {  	_ =	swait.ge [sflag:s24], $0x4000  }
0x116: {  	[sflag:s24] =	ssyncset.done $0x0  }
0x117: {  	s15 =	rddreg [dreg:$0xc];
	[sflag:s24] =	ssyncadd.s32 $0xFFFFC000  }
0x118: {  	[hbm4b:s15+s5] =	stream.linear.scatter [tilespmem:s22], [sflag:$0xA], $0x4000, $0x38;
	[tilespmem:$0x14580] =	vst v63  }
0x119: {  	_ =	swait.ge [sflag:s8], $0x4000  }
0x11a: {  	[sflag:s8] =	ssyncset.done $0x0  }
0x11b: {  	s23 =	simm.s32 $0x1800;
	[sflag:s8] =	ssyncadd.s32 $0xFFFFC000  }
0x11c: {  	[tilespmem:s21], [sflag:$0x1] =	stream.indirect.gather [hbm4b:s0+s9], $0x80, s23, s9, $0xb8;
	[tilespmem:$0x14580] =	vst v63  }
0x11d: {  	_ =	swait.ge [sflag:s11], $0x4000  }
0x11e: {  	[sflag:s11] =	ssyncset.done $0x0  }
0x11f: {  	s14 =	simm.s32 $0x3380;
	[sflag:s11] =	ssyncadd.s32 $0xFFFFC000  }
0x120: {  	[tilespmem:s25], [sflag:$0x8] =	stream.indirect.gather.add.f32 [spmem:s4], $0x80, s14, s9, $0xb8;
	[tilespmem:$0x14580] =	vst v63  }
0x121: {  	_ =	swait.ge [sflag:s28], $0x4000  }
0x122: {  	[sflag:s28] =	ssyncset.done $0x0  }
0x123: {  	s15 =	rddreg [dreg:$0xd];
	[sflag:s28] =	ssyncadd.s32 $0xFFFFC000  }
0x124: {  	[hbm4b:s15+s5] =	stream.linear.scatter [tilespmem:s29], [sflag:$0xB], $0x4000, $0x38;
	[tilespmem:$0x14580] =	vst v63  }
0x125: {  	_ =	swait.ge [sflag:s31], $0x4000  }
0x126: {  	[sflag:s31] =	ssyncset.done $0x0  }
0x127: {  	s23 =	simm.s32 $0x1880;
	[sflag:s31] =	ssyncadd.s32 $0xFFFFC000  }
0x128: {  	[tilespmem:s22], [sflag:$0x2] =	stream.indirect.gather [hbm4b:s0+s9], $0x80, s23, s9, $0xb8;
	[tilespmem:$0x14580] =	vst v63  }
0x129: {  	_ =	swait.ge [sflag:s26], $0x4000  }
0x12a: {  	[sflag:s26] =	ssyncset.done $0x0  }
0x12b: {  	s14 =	simm.s32 $0x3400;
	[sflag:s26] =	ssyncadd.s32 $0xFFFFC000  }
0x12c: {  	[tilespmem:s21], [sflag:$0x5] =	stream.indirect.gather.add.f32 [spmem:s4], $0x80, s14, s9, $0xb8;
	[tilespmem:$0x14580] =	vst v63  }
0x12d: {  	_ =	swait.ge [sflag:s1], $0x4000  }
0x12e: {  	[sflag:s1] =	ssyncset.done $0x0  }
0x12f: {  	s15 =	rddreg [dreg:$0xe];
	[sflag:s1] =	ssyncadd.s32 $0xFFFFC000  }
0x130: {  	[hbm4b:s15+s5] =	stream.linear.scatter [tilespmem:s25], [sflag:$0xC], $0x4000, $0x38;
	[tilespmem:$0x14580] =	vst v63  }
0x131: {  	_ =	swait.ge [sflag:s6], $0x4000  }
0x132: {  	[sflag:s6] =	ssyncset.done $0x0  }
0x133: {  	[sflag:s6] =	ssyncadd.s32 $0xFFFFC000  }
0x134: {  	_ =	swait.ge [sflag:s30], $0x4000  }
0x135: {  	[sflag:s30] =	ssyncset.done $0x0  }
0x136: {  	s23 =	simm.s32 $0x3480;
	[sflag:s30] =	ssyncadd.s32 $0xFFFFC000  }
0x137: {  	[tilespmem:s22], [sflag:$0x6] =	stream.indirect.gather.add.f32 [spmem:s4], $0x80, s23, s9, $0xb8;
	[tilespmem:$0x14580] =	vst v63  }
0x138: {  	_ =	swait.ge [sflag:s3], $0x4000  }
0x139: {  	[sflag:s3] =	ssyncset.done $0x0  }
0x13a: {  	[sflag:s3] =	ssyncadd.s32 $0xFFFFC000  }
0x13b: {  	[hbm4b:s16+s5] =	stream.linear.scatter [tilespmem:s21], [sflag:$0x9], $0x4000, $0x38;
	[tilespmem:$0x14580] =	vst v63  }
0x13c: {  	_ =	swait.ge [sflag:s7], $0x4000  }
0x13d: {  	[sflag:s7] =	ssyncset.done $0x0  }
0x13e: {  	[sflag:s7] =	ssyncadd.s32 $0xFFFFC000  }
0x13f: {  	_ =	swait.ge [sflag:s24], $0x4000  }
0x140: {  	[sflag:s24] =	ssyncset.done $0x0  }
0x141: {  	s12 =	sadd.s32 $0x1, s12;
	[sflag:s24] =	ssyncadd.s32 $0xFFFFC000  }
0x142: {  	[hbm4b:s17+s5] =	stream.linear.scatter [tilespmem:s22], [sflag:$0xA], $0x4000, $0x38;
	[tilespmem:$0x14580] =	vst v63  }
0x143: {  	p1 =	sne.s32 s12, s18;
	_ =	swait.ge [sflag:s8], $0x4000  }
.Ltmp4:
0x144: {  	[sflag:s8] =	ssyncset.done $0x0;
	(pc) =	sbr.rel @p1 .LBB2_1-.Ltmp4, $4  }
0x145: {  	[sflag:s8] =	ssyncadd.s32 $0xFFFFC000  }
0x146: {  	_ =	swait.ge [sflag:s31], $0x4000  }
0x147: {  	[sflag:s31] =	ssyncset.done $0x0  }
0x148: {  	s23 =	simm.s32 $0x1C00;
	[sflag:s31] =	ssyncadd.s32 $0xFFFFC000  }
0x149: {  	_ =	sfence.sel $0x180000  }
0x14a: {  	[bflag:$0x0] =	sbarrier.arrive $0xFFFF  }
0x14b: {  	_ =	strace $0x90000047  }
0x14c: {  	s0 =	stileid.u32;
	[bflag:$0x2] =	sbarrier.arrive $0xFFFF  }
0x14d: {  	p0 =	sne.s32 s0, $0x0;
	s0 =	rddreg [dreg:$0x6]  }
0x14e: {  	s0 =	sadd.s32 @!p0 $0x100000, s0  }
0x14f: {  	[sflag:s0] =	ssyncadd.tile.s32 @!p0 $0x1;
	_ =	shalt  }
.Lfunc_end2:
_tile_overlayer_lowered:
.L_overlay_start_2:
0x150: {  	(tag) =	ssettag $0x2  }
0x151: {  	s0 =	rddreg [dreg:$0x0];
	s2 =	stileid.u32  }
0x152: {  	s1 =	rddreg [dreg:$0x1];
	p0 =	sne.s32 s2, $0x0  }
0x153: {  	s3 =	rddreg [dreg:$0x2];
	[bflag:$0x3] =	sbarrier.arrive $0xFFFF;
	s2 =	simm.s32 @!p0 $0x1C0D  }
0x154: {  	[timem:s3], [sflag:s2] =	dma.local @!p0 [hbm:s0], s1  }
0x155: {  	s0 =	simm.s32 @!p0 $0xD  }
0x156: {  	_ =	swait.ge @!p0 [sflag:s0], s1  }
0x157: {  	s1 =	ssub.s32 @!p0 $0x0, s1;
	[sflag:s0] =	ssyncset.done @!p0 $0x0  }
0x158: {  	[sflag:s0] =	ssyncadd.s32 @!p0 s1  }
0x159: {  	[bflag:$0x3] =	sbarrier.arrive $0xFFFF  }
0x15a: {  	_ =	shalt  }

</sc_bundles>
